<compile_context>
chip_gen: v7x
topology: tpu7x:2x2x1
jax: 0.10.2.dev20260603
libtpu: 0.0.44.dev20260713+nightly
codegen_flags: <defaults>
</compile_context>

<pallas_src>
import functools

import jax
import jax.numpy as jnp
from jax import lax
from jax.experimental import pallas as pl
from jax.experimental.pallas import tpu as pltpu
from jax.experimental.pallas import tpu_sc as plsc

BATCH = 16384
EMB_DIM = 32
LANES = 16

_INFO = plsc.get_sparse_core_info()
_NC = _INFO.num_cores
_NS = _INFO.num_subcores
NW = _NC * _NS
BPW = BATCH // NW
GROUPS = BPW // LANES
CW = 128
CH = BPW // CW


def _sc_body(u_idx_hbm, p_idx_hbm, n_idx_hbm, uemb_hbm, iemb_hbm, bias_hbm,
             pos_out, neg_out,
             uidx_v, pidx_v, nidx_v, ue_v, pe_v, ne_v, pb_v, nb_v,
             ps_v, ns_v, sem):
    wid = lax.axis_index("s") * _NC + lax.axis_index("c")
    base = wid * BPW

    pltpu.sync_copy(u_idx_hbm.at[pl.ds(base, BPW)], uidx_v)
    pltpu.sync_copy(p_idx_hbm.at[pl.ds(base, BPW)], pidx_v)
    pltpu.sync_copy(n_idx_hbm.at[pl.ds(base, BPW)], nidx_v)

    for c in range(CH):
        sl = pl.ds(c * CW, CW)
        pltpu.async_copy(uemb_hbm.at[uidx_v.at[sl]], ue_v.at[sl], sem)
        pltpu.async_copy(iemb_hbm.at[pidx_v.at[sl]], pe_v.at[sl], sem)
        pltpu.async_copy(iemb_hbm.at[nidx_v.at[sl]], ne_v.at[sl], sem)
        pltpu.async_copy(bias_hbm.at[pidx_v.at[sl]], pb_v.at[sl], sem)
        pltpu.async_copy(bias_hbm.at[nidx_v.at[sl]], nb_v.at[sl], sem)

    pltpu.make_async_copy(uemb_hbm.at[pl.ds(0, BPW)], ue_v, sem).wait()
    pltpu.make_async_copy(uemb_hbm.at[pl.ds(0, BPW)], pe_v, sem).wait()
    pltpu.make_async_copy(uemb_hbm.at[pl.ds(0, BPW)], ne_v, sem).wait()
    pltpu.make_async_copy(bias_hbm.at[pl.ds(0, BPW)], pb_v, sem).wait()
    pltpu.make_async_copy(bias_hbm.at[pl.ds(0, BPW)], nb_v, sem).wait()

    iot = lax.iota(jnp.int32, LANES)

    def grp(g, carry):
        rb = g * LANES
        rows = rb + iot
        accp = pb_v[pl.ds(rb, LANES)]
        accn = nb_v[pl.ds(rb, LANES)]
        for d in range(EMB_DIM):
            dsplat = jnp.full((LANES,), d, jnp.int32)
            uv = plsc.load_gather(ue_v, [rows, dsplat])
            pv = plsc.load_gather(pe_v, [rows, dsplat])
            nv = plsc.load_gather(ne_v, [rows, dsplat])
            accp = accp + uv * pv
            accn = accn + uv * nv
        ps_v[pl.ds(rb, LANES)] = accp
        ns_v[pl.ds(rb, LANES)] = accn
        return carry

    lax.fori_loop(0, GROUPS, grp, 0)

    pltpu.sync_copy(ps_v, pos_out.at[pl.ds(base, BPW)])
    pltpu.sync_copy(ns_v, neg_out.at[pl.ds(base, BPW)])


@jax.jit
def _bprmf_sc(u_idx, p_idx, n_idx, uemb, iemb, bias1):
    mesh = plsc.VectorSubcoreMesh(core_axis_name="c", subcore_axis_name="s")
    f = functools.partial(
        pl.kernel,
        mesh=mesh,
        out_type=(
            jax.ShapeDtypeStruct((BATCH,), jnp.float32),
            jax.ShapeDtypeStruct((BATCH,), jnp.float32),
        ),
        scratch_types=[
            pltpu.VMEM((BPW,), jnp.int32),
            pltpu.VMEM((BPW,), jnp.int32),
            pltpu.VMEM((BPW,), jnp.int32),
            pltpu.VMEM((BPW, EMB_DIM), jnp.float32),
            pltpu.VMEM((BPW, EMB_DIM), jnp.float32),
            pltpu.VMEM((BPW, EMB_DIM), jnp.float32),
            pltpu.VMEM((BPW,), jnp.float32),
            pltpu.VMEM((BPW,), jnp.float32),
            pltpu.VMEM((BPW,), jnp.float32),
            pltpu.VMEM((BPW,), jnp.float32),
            pltpu.SemaphoreType.DMA,
        ],
        compiler_params=pltpu.CompilerParams(
            use_tc_tiling_on_sc=False,
            needs_layout_passes=False,
        ),
    )(_sc_body)
    return f(u_idx, p_idx, n_idx, uemb, iemb, bias1)


def kernel(users, pos_items, neg_items, user_embedding, item_embedding, item_bias):
    return _bprmf_sc(
        users.astype(jnp.int32),
        pos_items.astype(jnp.int32),
        neg_items.astype(jnp.int32),
        user_embedding,
        item_embedding,
        item_bias.reshape(-1),
    )

# --- scband reference (transcript-rebuilt; emitter-appended) ---
"""Pipeline reference for scband-bprmf-2121713844286 (READ-ONLY COPY).

The authoritative reference and input builder live on the scoring server;
editing this copy changes nothing except your own understanding.
"""

import jax, jax.numpy as jnp
import numpy as np

NUM_USER = 1000000
NUM_ITEM = 1000000
EMB_DIM = 32
BATCH = 16384


def setup_inputs(seed: int = 0) -> dict:
    key = jax.random.key(seed)
    k1, k2, k3, k4, k5 = jax.random.split(key, 5)
    users = jax.random.randint(k1, (BATCH,), 0, NUM_USER, dtype=jnp.int64 if jax.config.jax_enable_x64 else jnp.int32)
    pos_items = jax.random.randint(k2, (BATCH,), 0, NUM_ITEM, dtype=jnp.int64 if jax.config.jax_enable_x64 else jnp.int32)
    neg_items = jax.random.randint(k3, (BATCH,), 0, NUM_ITEM, dtype=jnp.int64 if jax.config.jax_enable_x64 else jnp.int32)
    # learned parameters (xavier-normal-like init for embeddings, zeros for bias)
    user_embedding = jax.random.normal(k4, (NUM_USER, EMB_DIM), dtype=jnp.float32) * (2.0 / (NUM_USER + EMB_DIM)) ** 0.5
    item_embedding = jax.random.normal(k5, (NUM_ITEM, EMB_DIM), dtype=jnp.float32) * (2.0 / (NUM_ITEM + EMB_DIM)) ** 0.5
    item_bias = jnp.zeros((NUM_ITEM, 1), dtype=jnp.float32)
    return {
        "users": users,
        "pos_items": pos_items,
        "neg_items": neg_items,
        "user_embedding": user_embedding,
        "item_embedding": item_embedding,
        "item_bias": item_bias,
    }


def reference(users, pos_items, neg_items, user_embedding, item_embedding, item_bias):
    ue = jnp.take(user_embedding, users, axis=0)
    pe = jnp.take(item_embedding, pos_items, axis=0)
    ne = jnp.take(item_embedding, neg_items, axis=0)
    pb = jnp.take(item_bias, pos_items, axis=0)[:, 0]
    nb = jnp.take(item_bias, neg_items, axis=0)[:, 0]
    positive_scores = jnp.sum(ue * pe, axis=1) + pb
    negative_scores = jnp.sum(ue * ne, axis=1) + nb
    return (positive_scores, negative_scores)

if __name__ == "__main__":
    import jax
    _d = setup_inputs()
    print(jax.jit(kernel)(*tuple(_d.values())))

</pallas_src>

<mosaic_0001>
#map = affine_map<(d0, d1) -> (0)>
#map1 = affine_map<(d0, d1) -> (0, 0)>
module attributes {stable_mosaic.version = 14 : i64} {
  func.func @_sc_body(%arg0: i32, %arg1: i32, %arg2: memref<16384xi32, #tpu.memory_space<hbm>>, %arg3: memref<16384xi32, #tpu.memory_space<hbm>>, %arg4: memref<16384xi32, #tpu.memory_space<hbm>>, %arg5: memref<1000000x32xf32, #tpu.memory_space<hbm>>, %arg6: memref<1000000x32xf32, #tpu.memory_space<hbm>>, %arg7: memref<1000000xf32, #tpu.memory_space<hbm>>, %arg8: memref<16384xf32, #tpu.memory_space<hbm>>, %arg9: memref<16384xf32, #tpu.memory_space<hbm>>, %arg10: memref<512xi32, #tpu.memory_space<vmem>>, %arg11: memref<512xi32, #tpu.memory_space<vmem>>, %arg12: memref<512xi32, #tpu.memory_space<vmem>>, %arg13: memref<512x32xf32, #tpu.memory_space<vmem>>, %arg14: memref<512x32xf32, #tpu.memory_space<vmem>>, %arg15: memref<512x32xf32, #tpu.memory_space<vmem>>, %arg16: memref<512xf32, #tpu.memory_space<vmem>>, %arg17: memref<512xf32, #tpu.memory_space<vmem>>, %arg18: memref<512xf32, #tpu.memory_space<vmem>>, %arg19: memref<512xf32, #tpu.memory_space<vmem>>, %arg20: memref<!tpu.dma_semaphore, #tpu.memory_space<semaphore_mem>>) attributes {dimension_semantics = [#tpu.dimension_semantics<core_parallel>, #tpu.dimension_semantics<subcore_parallel>], iteration_bounds = array<i64: 2, 16>, scalar_prefetch = 0 : i64, scratch_operands = 11 : i64, tpu.core_type = #tpu.core_type<sc_vector_subcore>, window_params = [{transform_indices = #map}, {transform_indices = #map}, {transform_indices = #map}, {transform_indices = #map1}, {transform_indices = #map1}, {transform_indices = #map}, {transform_indices = #map}, {transform_indices = #map}]} {
    %mul3A = arith.constant 2 : i32
    %mul3A_0 = arith.muli %arg1, %mul3A : i32
    %add3A = arith.addi %mul3A_0, %arg0 : i32
    %mul3A_1 = arith.constant 512 : i32
    %mul3A_2 = arith.muli %add3A, %mul3A_1 : i32
    "tpu.region"() ({
      %run_scoped3A = tpu.sem_alloc : memref<!tpu.dma_semaphore, #tpu.memory_space<semaphore_mem>>
      %dma_start3A_176 = tpu.memref_slice %arg2[%mul3A_2] : memref<16384xi32, #tpu.memory_space<hbm>> -> memref<512xi32, #tpu.memory_space<hbm>>
      %dma_start3A_177 = tpu.memref_slice %arg2[%mul3A_2] : memref<16384xi32, #tpu.memory_space<hbm>> -> memref<512xi32, #tpu.memory_space<hbm>>
      tpu.enqueue_dma source(%dma_start3A_177 : memref<512xi32, #tpu.memory_space<hbm>>) target(%arg10 : memref<512xi32, #tpu.memory_space<vmem>>) target_semaphore(%run_scoped3A : memref<!tpu.dma_semaphore, #tpu.memory_space<semaphore_mem>>)
      %dma_wait3A_178 = tpu.memref_slice %arg2[%mul3A_2] : memref<16384xi32, #tpu.memory_space<hbm>> -> memref<512xi32, #tpu.memory_space<hbm>>
      %dma_wait3A_179 = tpu.memref_slice %arg2[%mul3A_2] : memref<16384xi32, #tpu.memory_space<hbm>> -> memref<512xi32, #tpu.memory_space<hbm>>
      tpu.wait_dma2 semaphore(%run_scoped3A : memref<!tpu.dma_semaphore, #tpu.memory_space<semaphore_mem>>) src(%dma_wait3A_179 : memref<512xi32, #tpu.memory_space<hbm>>) dst(%arg10 : memref<512xi32, #tpu.memory_space<vmem>>)
      tpu.yield
    }) : () -> ()
    "tpu.region"() ({
      %run_scoped3A = tpu.sem_alloc : memref<!tpu.dma_semaphore, #tpu.memory_space<semaphore_mem>>
      %dma_start3A_176 = tpu.memref_slice %arg3[%mul3A_2] : memref<16384xi32, #tpu.memory_space<hbm>> -> memref<512xi32, #tpu.memory_space<hbm>>
      %dma_start3A_177 = tpu.memref_slice %arg3[%mul3A_2] : memref<16384xi32, #tpu.memory_space<hbm>> -> memref<512xi32, #tpu.memory_space<hbm>>
      tpu.enqueue_dma source(%dma_start3A_177 : memref<512xi32, #tpu.memory_space<hbm>>) target(%arg11 : memref<512xi32, #tpu.memory_space<vmem>>) target_semaphore(%run_scoped3A : memref<!tpu.dma_semaphore, #tpu.memory_space<semaphore_mem>>)
      %dma_wait3A_178 = tpu.memref_slice %arg3[%mul3A_2] : memref<16384xi32, #tpu.memory_space<hbm>> -> memref<512xi32, #tpu.memory_space<hbm>>
      %dma_wait3A_179 = tpu.memref_slice %arg3[%mul3A_2] : memref<16384xi32, #tpu.memory_space<hbm>> -> memref<512xi32, #tpu.memory_space<hbm>>
      tpu.wait_dma2 semaphore(%run_scoped3A : memref<!tpu.dma_semaphore, #tpu.memory_space<semaphore_mem>>) src(%dma_wait3A_179 : memref<512xi32, #tpu.memory_space<hbm>>) dst(%arg11 : memref<512xi32, #tpu.memory_space<vmem>>)
      tpu.yield
    }) : () -> ()
    "tpu.region"() ({
      %run_scoped3A = tpu.sem_alloc : memref<!tpu.dma_semaphore, #tpu.memory_space<semaphore_mem>>
      %dma_start3A_176 = tpu.memref_slice %arg4[%mul3A_2] : memref<16384xi32, #tpu.memory_space<hbm>> -> memref<512xi32, #tpu.memory_space<hbm>>
      %dma_start3A_177 = tpu.memref_slice %arg4[%mul3A_2] : memref<16384xi32, #tpu.memory_space<hbm>> -> memref<512xi32, #tpu.memory_space<hbm>>
      tpu.enqueue_dma source(%dma_start3A_177 : memref<512xi32, #tpu.memory_space<hbm>>) target(%arg12 : memref<512xi32, #tpu.memory_space<vmem>>) target_semaphore(%run_scoped3A : memref<!tpu.dma_semaphore, #tpu.memory_space<semaphore_mem>>)
      %dma_wait3A_178 = tpu.memref_slice %arg4[%mul3A_2] : memref<16384xi32, #tpu.memory_space<hbm>> -> memref<512xi32, #tpu.memory_space<hbm>>
      %dma_wait3A_179 = tpu.memref_slice %arg4[%mul3A_2] : memref<16384xi32, #tpu.memory_space<hbm>> -> memref<512xi32, #tpu.memory_space<hbm>>
      tpu.wait_dma2 semaphore(%run_scoped3A : memref<!tpu.dma_semaphore, #tpu.memory_space<semaphore_mem>>) src(%dma_wait3A_179 : memref<512xi32, #tpu.memory_space<hbm>>) dst(%arg12 : memref<512xi32, #tpu.memory_space<vmem>>)
      tpu.yield
    }) : () -> ()
    %dma_start3A = arith.constant 0 : i32
    %dma_start3A_3 = arith.constant 0 : i32
    %dma_start3A_4 = tpu.memref_slice %arg13[%dma_start3A, %dma_start3A_3] : memref<512x32xf32, #tpu.memory_space<vmem>> -> memref<128x32xf32, #tpu.memory_space<vmem>>
    %dma_start3A_5 = arith.constant 0 : i32
    %dma_start3A_6 = tpu.memref_slice %arg10[%dma_start3A_5] : memref<512xi32, #tpu.memory_space<vmem>> -> memref<128xi32, #tpu.memory_space<vmem>>
    %dma_start3A_7 = arith.constant 0 : i32
    %dma_start3A_8 = arith.constant 0 : i32
    %dma_start3A_9 = tpu.memref_slice %arg5[%dma_start3A_7, %dma_start3A_8] : memref<1000000x32xf32, #tpu.memory_space<hbm>> -> memref<1000000x32xf32, #tpu.memory_space<hbm>>
    tpu.enqueue_indirect_dma source(%dma_start3A_9 : memref<1000000x32xf32, #tpu.memory_space<hbm>>) target(%dma_start3A_4 : memref<128x32xf32, #tpu.memory_space<vmem>>) offsets(%dma_start3A_6 : memref<128xi32, #tpu.memory_space<vmem>>) semaphore(%arg20 : memref<!tpu.dma_semaphore, #tpu.memory_space<semaphore_mem>>)
    %dma_start3A_10 = arith.constant 0 : i32
    %dma_start3A_11 = arith.constant 0 : i32
    %dma_start3A_12 = tpu.memref_slice %arg14[%dma_start3A_10, %dma_start3A_11] : memref<512x32xf32, #tpu.memory_space<vmem>> -> memref<128x32xf32, #tpu.memory_space<vmem>>
    %dma_start3A_13 = arith.constant 0 : i32
    %dma_start3A_14 = tpu.memref_slice %arg11[%dma_start3A_13] : memref<512xi32, #tpu.memory_space<vmem>> -> memref<128xi32, #tpu.memory_space<vmem>>
    %dma_start3A_15 = arith.constant 0 : i32
    %dma_start3A_16 = arith.constant 0 : i32
    %dma_start3A_17 = tpu.memref_slice %arg6[%dma_start3A_15, %dma_start3A_16] : memref<1000000x32xf32, #tpu.memory_space<hbm>> -> memref<1000000x32xf32, #tpu.memory_space<hbm>>
    tpu.enqueue_indirect_dma source(%dma_start3A_17 : memref<1000000x32xf32, #tpu.memory_space<hbm>>) target(%dma_start3A_12 : memref<128x32xf32, #tpu.memory_space<vmem>>) offsets(%dma_start3A_14 : memref<128xi32, #tpu.memory_space<vmem>>) semaphore(%arg20 : memref<!tpu.dma_semaphore, #tpu.memory_space<semaphore_mem>>)
    %dma_start3A_18 = arith.constant 0 : i32
    %dma_start3A_19 = arith.constant 0 : i32
    %dma_start3A_20 = tpu.memref_slice %arg15[%dma_start3A_18, %dma_start3A_19] : memref<512x32xf32, #tpu.memory_space<vmem>> -> memref<128x32xf32, #tpu.memory_space<vmem>>
    %dma_start3A_21 = arith.constant 0 : i32
    %dma_start3A_22 = tpu.memref_slice %arg12[%dma_start3A_21] : memref<512xi32, #tpu.memory_space<vmem>> -> memref<128xi32, #tpu.memory_space<vmem>>
    %dma_start3A_23 = arith.constant 0 : i32
    %dma_start3A_24 = arith.constant 0 : i32
    %dma_start3A_25 = tpu.memref_slice %arg6[%dma_start3A_23, %dma_start3A_24] : memref<1000000x32xf32, #tpu.memory_space<hbm>> -> memref<1000000x32xf32, #tpu.memory_space<hbm>>
    tpu.enqueue_indirect_dma source(%dma_start3A_25 : memref<1000000x32xf32, #tpu.memory_space<hbm>>) target(%dma_start3A_20 : memref<128x32xf32, #tpu.memory_space<vmem>>) offsets(%dma_start3A_22 : memref<128xi32, #tpu.memory_space<vmem>>) semaphore(%arg20 : memref<!tpu.dma_semaphore, #tpu.memory_space<semaphore_mem>>)
    %dma_start3A_26 = arith.constant 0 : i32
    %dma_start3A_27 = tpu.memref_slice %arg16[%dma_start3A_26] : memref<512xf32, #tpu.memory_space<vmem>> -> memref<128xf32, #tpu.memory_space<vmem>>
    %dma_start3A_28 = arith.constant 0 : i32
    %dma_start3A_29 = tpu.memref_slice %arg11[%dma_start3A_28] : memref<512xi32, #tpu.memory_space<vmem>> -> memref<128xi32, #tpu.memory_space<vmem>>
    %dma_start3A_30 = arith.constant 0 : i32
    %dma_start3A_31 = tpu.memref_slice %arg7[%dma_start3A_30] : memref<1000000xf32, #tpu.memory_space<hbm>> -> memref<1000000xf32, #tpu.memory_space<hbm>>
    tpu.enqueue_indirect_dma source(%dma_start3A_31 : memref<1000000xf32, #tpu.memory_space<hbm>>) target(%dma_start3A_27 : memref<128xf32, #tpu.memory_space<vmem>>) offsets(%dma_start3A_29 : memref<128xi32, #tpu.memory_space<vmem>>) semaphore(%arg20 : memref<!tpu.dma_semaphore, #tpu.memory_space<semaphore_mem>>)
    %dma_start3A_32 = arith.constant 0 : i32
    %dma_start3A_33 = tpu.memref_slice %arg17[%dma_start3A_32] : memref<512xf32, #tpu.memory_space<vmem>> -> memref<128xf32, #tpu.memory_space<vmem>>
    %dma_start3A_34 = arith.constant 0 : i32
    %dma_start3A_35 = tpu.memref_slice %arg12[%dma_start3A_34] : memref<512xi32, #tpu.memory_space<vmem>> -> memref<128xi32, #tpu.memory_space<vmem>>
    %dma_start3A_36 = arith.constant 0 : i32
    %dma_start3A_37 = tpu.memref_slice %arg7[%dma_start3A_36] : memref<1000000xf32, #tpu.memory_space<hbm>> -> memref<1000000xf32, #tpu.memory_space<hbm>>
    tpu.enqueue_indirect_dma source(%dma_start3A_37 : memref<1000000xf32, #tpu.memory_space<hbm>>) target(%dma_start3A_33 : memref<128xf32, #tpu.memory_space<vmem>>) offsets(%dma_start3A_35 : memref<128xi32, #tpu.memory_space<vmem>>) semaphore(%arg20 : memref<!tpu.dma_semaphore, #tpu.memory_space<semaphore_mem>>)
    %dma_start3A_38 = arith.constant 128 : i32
    %dma_start3A_39 = arith.constant 0 : i32
    %dma_start3A_40 = tpu.memref_slice %arg13[%dma_start3A_38, %dma_start3A_39] : memref<512x32xf32, #tpu.memory_space<vmem>> -> memref<128x32xf32, #tpu.memory_space<vmem>>
    %dma_start3A_41 = arith.constant 128 : i32
    %dma_start3A_42 = tpu.memref_slice %arg10[%dma_start3A_41] : memref<512xi32, #tpu.memory_space<vmem>> -> memref<128xi32, #tpu.memory_space<vmem>>
    %dma_start3A_43 = arith.constant 0 : i32
    %dma_start3A_44 = arith.constant 0 : i32
    %dma_start3A_45 = tpu.memref_slice %arg5[%dma_start3A_43, %dma_start3A_44] : memref<1000000x32xf32, #tpu.memory_space<hbm>> -> memref<1000000x32xf32, #tpu.memory_space<hbm>>
    tpu.enqueue_indirect_dma source(%dma_start3A_45 : memref<1000000x32xf32, #tpu.memory_space<hbm>>) target(%dma_start3A_40 : memref<128x32xf32, #tpu.memory_space<vmem>>) offsets(%dma_start3A_42 : memref<128xi32, #tpu.memory_space<vmem>>) semaphore(%arg20 : memref<!tpu.dma_semaphore, #tpu.memory_space<semaphore_mem>>)
    %dma_start3A_46 = arith.constant 128 : i32
    %dma_start3A_47 = arith.constant 0 : i32
    %dma_start3A_48 = tpu.memref_slice %arg14[%dma_start3A_46, %dma_start3A_47] : memref<512x32xf32, #tpu.memory_space<vmem>> -> memref<128x32xf32, #tpu.memory_space<vmem>>
    %dma_start3A_49 = arith.constant 128 : i32
    %dma_start3A_50 = tpu.memref_slice %arg11[%dma_start3A_49] : memref<512xi32, #tpu.memory_space<vmem>> -> memref<128xi32, #tpu.memory_space<vmem>>
    %dma_start3A_51 = arith.constant 0 : i32
    %dma_start3A_52 = arith.constant 0 : i32
    %dma_start3A_53 = tpu.memref_slice %arg6[%dma_start3A_51, %dma_start3A_52] : memref<1000000x32xf32, #tpu.memory_space<hbm>> -> memref<1000000x32xf32, #tpu.memory_space<hbm>>
    tpu.enqueue_indirect_dma source(%dma_start3A_53 : memref<1000000x32xf32, #tpu.memory_space<hbm>>) target(%dma_start3A_48 : memref<128x32xf32, #tpu.memory_space<vmem>>) offsets(%dma_start3A_50 : memref<128xi32, #tpu.memory_space<vmem>>) semaphore(%arg20 : memref<!tpu.dma_semaphore, #tpu.memory_space<semaphore_mem>>)
    %dma_start3A_54 = arith.constant 128 : i32
    %dma_start3A_55 = arith.constant 0 : i32
    %dma_start3A_56 = tpu.memref_slice %arg15[%dma_start3A_54, %dma_start3A_55] : memref<512x32xf32, #tpu.memory_space<vmem>> -> memref<128x32xf32, #tpu.memory_space<vmem>>
    %dma_start3A_57 = arith.constant 128 : i32
    %dma_start3A_58 = tpu.memref_slice %arg12[%dma_start3A_57] : memref<512xi32, #tpu.memory_space<vmem>> -> memref<128xi32, #tpu.memory_space<vmem>>
    %dma_start3A_59 = arith.constant 0 : i32
    %dma_start3A_60 = arith.constant 0 : i32
    %dma_start3A_61 = tpu.memref_slice %arg6[%dma_start3A_59, %dma_start3A_60] : memref<1000000x32xf32, #tpu.memory_space<hbm>> -> memref<1000000x32xf32, #tpu.memory_space<hbm>>
    tpu.enqueue_indirect_dma source(%dma_start3A_61 : memref<1000000x32xf32, #tpu.memory_space<hbm>>) target(%dma_start3A_56 : memref<128x32xf32, #tpu.memory_space<vmem>>) offsets(%dma_start3A_58 : memref<128xi32, #tpu.memory_space<vmem>>) semaphore(%arg20 : memref<!tpu.dma_semaphore, #tpu.memory_space<semaphore_mem>>)
    %dma_start3A_62 = arith.constant 128 : i32
    %dma_start3A_63 = tpu.memref_slice %arg16[%dma_start3A_62] : memref<512xf32, #tpu.memory_space<vmem>> -> memref<128xf32, #tpu.memory_space<vmem>>
    %dma_start3A_64 = arith.constant 128 : i32
    %dma_start3A_65 = tpu.memref_slice %arg11[%dma_start3A_64] : memref<512xi32, #tpu.memory_space<vmem>> -> memref<128xi32, #tpu.memory_space<vmem>>
    %dma_start3A_66 = arith.constant 0 : i32
    %dma_start3A_67 = tpu.memref_slice %arg7[%dma_start3A_66] : memref<1000000xf32, #tpu.memory_space<hbm>> -> memref<1000000xf32, #tpu.memory_space<hbm>>
    tpu.enqueue_indirect_dma source(%dma_start3A_67 : memref<1000000xf32, #tpu.memory_space<hbm>>) target(%dma_start3A_63 : memref<128xf32, #tpu.memory_space<vmem>>) offsets(%dma_start3A_65 : memref<128xi32, #tpu.memory_space<vmem>>) semaphore(%arg20 : memref<!tpu.dma_semaphore, #tpu.memory_space<semaphore_mem>>)
    %dma_start3A_68 = arith.constant 128 : i32
    %dma_start3A_69 = tpu.memref_slice %arg17[%dma_start3A_68] : memref<512xf32, #tpu.memory_space<vmem>> -> memref<128xf32, #tpu.memory_space<vmem>>
    %dma_start3A_70 = arith.constant 128 : i32
    %dma_start3A_71 = tpu.memref_slice %arg12[%dma_start3A_70] : memref<512xi32, #tpu.memory_space<vmem>> -> memref<128xi32, #tpu.memory_space<vmem>>
    %dma_start3A_72 = arith.constant 0 : i32
    %dma_start3A_73 = tpu.memref_slice %arg7[%dma_start3A_72] : memref<1000000xf32, #tpu.memory_space<hbm>> -> memref<1000000xf32, #tpu.memory_space<hbm>>
    tpu.enqueue_indirect_dma source(%dma_start3A_73 : memref<1000000xf32, #tpu.memory_space<hbm>>) target(%dma_start3A_69 : memref<128xf32, #tpu.memory_space<vmem>>) offsets(%dma_start3A_71 : memref<128xi32, #tpu.memory_space<vmem>>) semaphore(%arg20 : memref<!tpu.dma_semaphore, #tpu.memory_space<semaphore_mem>>)
    %dma_start3A_74 = arith.constant 256 : i32
    %dma_start3A_75 = arith.constant 0 : i32
    %dma_start3A_76 = tpu.memref_slice %arg13[%dma_start3A_74, %dma_start3A_75] : memref<512x32xf32, #tpu.memory_space<vmem>> -> memref<128x32xf32, #tpu.memory_space<vmem>>
    %dma_start3A_77 = arith.constant 256 : i32
    %dma_start3A_78 = tpu.memref_slice %arg10[%dma_start3A_77] : memref<512xi32, #tpu.memory_space<vmem>> -> memref<128xi32, #tpu.memory_space<vmem>>
    %dma_start3A_79 = arith.constant 0 : i32
    %dma_start3A_80 = arith.constant 0 : i32
    %dma_start3A_81 = tpu.memref_slice %arg5[%dma_start3A_79, %dma_start3A_80] : memref<1000000x32xf32, #tpu.memory_space<hbm>> -> memref<1000000x32xf32, #tpu.memory_space<hbm>>
    tpu.enqueue_indirect_dma source(%dma_start3A_81 : memref<1000000x32xf32, #tpu.memory_space<hbm>>) target(%dma_start3A_76 : memref<128x32xf32, #tpu.memory_space<vmem>>) offsets(%dma_start3A_78 : memref<128xi32, #tpu.memory_space<vmem>>) semaphore(%arg20 : memref<!tpu.dma_semaphore, #tpu.memory_space<semaphore_mem>>)
    %dma_start3A_82 = arith.constant 256 : i32
    %dma_start3A_83 = arith.constant 0 : i32
    %dma_start3A_84 = tpu.memref_slice %arg14[%dma_start3A_82, %dma_start3A_83] : memref<512x32xf32, #tpu.memory_space<vmem>> -> memref<128x32xf32, #tpu.memory_space<vmem>>
    %dma_start3A_85 = arith.constant 256 : i32
    %dma_start3A_86 = tpu.memref_slice %arg11[%dma_start3A_85] : memref<512xi32, #tpu.memory_space<vmem>> -> memref<128xi32, #tpu.memory_space<vmem>>
    %dma_start3A_87 = arith.constant 0 : i32
    %dma_start3A_88 = arith.constant 0 : i32
    %dma_start3A_89 = tpu.memref_slice %arg6[%dma_start3A_87, %dma_start3A_88] : memref<1000000x32xf32, #tpu.memory_space<hbm>> -> memref<1000000x32xf32, #tpu.memory_space<hbm>>
    tpu.enqueue_indirect_dma source(%dma_start3A_89 : memref<1000000x32xf32, #tpu.memory_space<hbm>>) target(%dma_start3A_84 : memref<128x32xf32, #tpu.memory_space<vmem>>) offsets(%dma_start3A_86 : memref<128xi32, #tpu.memory_space<vmem>>) semaphore(%arg20 : memref<!tpu.dma_semaphore, #tpu.memory_space<semaphore_mem>>)
    %dma_start3A_90 = arith.constant 256 : i32
    %dma_start3A_91 = arith.constant 0 : i32
    %dma_start3A_92 = tpu.memref_slice %arg15[%dma_start3A_90, %dma_start3A_91] : memref<512x32xf32, #tpu.memory_space<vmem>> -> memref<128x32xf32, #tpu.memory_space<vmem>>
    %dma_start3A_93 = arith.constant 256 : i32
    %dma_start3A_94 = tpu.memref_slice %arg12[%dma_start3A_93] : memref<512xi32, #tpu.memory_space<vmem>> -> memref<128xi32, #tpu.memory_space<vmem>>
    %dma_start3A_95 = arith.constant 0 : i32
    %dma_start3A_96 = arith.constant 0 : i32
    %dma_start3A_97 = tpu.memref_slice %arg6[%dma_start3A_95, %dma_start3A_96] : memref<1000000x32xf32, #tpu.memory_space<hbm>> -> memref<1000000x32xf32, #tpu.memory_space<hbm>>
    tpu.enqueue_indirect_dma source(%dma_start3A_97 : memref<1000000x32xf32, #tpu.memory_space<hbm>>) target(%dma_start3A_92 : memref<128x32xf32, #tpu.memory_space<vmem>>) offsets(%dma_start3A_94 : memref<128xi32, #tpu.memory_space<vmem>>) semaphore(%arg20 : memref<!tpu.dma_semaphore, #tpu.memory_space<semaphore_mem>>)
    %dma_start3A_98 = arith.constant 256 : i32
    %dma_start3A_99 = tpu.memref_slice %arg16[%dma_start3A_98] : memref<512xf32, #tpu.memory_space<vmem>> -> memref<128xf32, #tpu.memory_space<vmem>>
    %dma_start3A_100 = arith.constant 256 : i32
    %dma_start3A_101 = tpu.memref_slice %arg11[%dma_start3A_100] : memref<512xi32, #tpu.memory_space<vmem>> -> memref<128xi32, #tpu.memory_space<vmem>>
    %dma_start3A_102 = arith.constant 0 : i32
    %dma_start3A_103 = tpu.memref_slice %arg7[%dma_start3A_102] : memref<1000000xf32, #tpu.memory_space<hbm>> -> memref<1000000xf32, #tpu.memory_space<hbm>>
    tpu.enqueue_indirect_dma source(%dma_start3A_103 : memref<1000000xf32, #tpu.memory_space<hbm>>) target(%dma_start3A_99 : memref<128xf32, #tpu.memory_space<vmem>>) offsets(%dma_start3A_101 : memref<128xi32, #tpu.memory_space<vmem>>) semaphore(%arg20 : memref<!tpu.dma_semaphore, #tpu.memory_space<semaphore_mem>>)
    %dma_start3A_104 = arith.constant 256 : i32
    %dma_start3A_105 = tpu.memref_slice %arg17[%dma_start3A_104] : memref<512xf32, #tpu.memory_space<vmem>> -> memref<128xf32, #tpu.memory_space<vmem>>
    %dma_start3A_106 = arith.constant 256 : i32
    %dma_start3A_107 = tpu.memref_slice %arg12[%dma_start3A_106] : memref<512xi32, #tpu.memory_space<vmem>> -> memref<128xi32, #tpu.memory_space<vmem>>
    %dma_start3A_108 = arith.constant 0 : i32
    %dma_start3A_109 = tpu.memref_slice %arg7[%dma_start3A_108] : memref<1000000xf32, #tpu.memory_space<hbm>> -> memref<1000000xf32, #tpu.memory_space<hbm>>
    tpu.enqueue_indirect_dma source(%dma_start3A_109 : memref<1000000xf32, #tpu.memory_space<hbm>>) target(%dma_start3A_105 : memref<128xf32, #tpu.memory_space<vmem>>) offsets(%dma_start3A_107 : memref<128xi32, #tpu.memory_space<vmem>>) semaphore(%arg20 : memref<!tpu.dma_semaphore, #tpu.memory_space<semaphore_mem>>)
    %dma_start3A_110 = arith.constant 384 : i32
    %dma_start3A_111 = arith.constant 0 : i32
    %dma_start3A_112 = tpu.memref_slice %arg13[%dma_start3A_110, %dma_start3A_111] : memref<512x32xf32, #tpu.memory_space<vmem>> -> memref<128x32xf32, #tpu.memory_space<vmem>>
    %dma_start3A_113 = arith.constant 384 : i32
    %dma_start3A_114 = tpu.memref_slice %arg10[%dma_start3A_113] : memref<512xi32, #tpu.memory_space<vmem>> -> memref<128xi32, #tpu.memory_space<vmem>>
    %dma_start3A_115 = arith.constant 0 : i32
    %dma_start3A_116 = arith.constant 0 : i32
    %dma_start3A_117 = tpu.memref_slice %arg5[%dma_start3A_115, %dma_start3A_116] : memref<1000000x32xf32, #tpu.memory_space<hbm>> -> memref<1000000x32xf32, #tpu.memory_space<hbm>>
    tpu.enqueue_indirect_dma source(%dma_start3A_117 : memref<1000000x32xf32, #tpu.memory_space<hbm>>) target(%dma_start3A_112 : memref<128x32xf32, #tpu.memory_space<vmem>>) offsets(%dma_start3A_114 : memref<128xi32, #tpu.memory_space<vmem>>) semaphore(%arg20 : memref<!tpu.dma_semaphore, #tpu.memory_space<semaphore_mem>>)
    %dma_start3A_118 = arith.constant 384 : i32
    %dma_start3A_119 = arith.constant 0 : i32
    %dma_start3A_120 = tpu.memref_slice %arg14[%dma_start3A_118, %dma_start3A_119] : memref<512x32xf32, #tpu.memory_space<vmem>> -> memref<128x32xf32, #tpu.memory_space<vmem>>
    %dma_start3A_121 = arith.constant 384 : i32
    %dma_start3A_122 = tpu.memref_slice %arg11[%dma_start3A_121] : memref<512xi32, #tpu.memory_space<vmem>> -> memref<128xi32, #tpu.memory_space<vmem>>
    %dma_start3A_123 = arith.constant 0 : i32
    %dma_start3A_124 = arith.constant 0 : i32
    %dma_start3A_125 = tpu.memref_slice %arg6[%dma_start3A_123, %dma_start3A_124] : memref<1000000x32xf32, #tpu.memory_space<hbm>> -> memref<1000000x32xf32, #tpu.memory_space<hbm>>
    tpu.enqueue_indirect_dma source(%dma_start3A_125 : memref<1000000x32xf32, #tpu.memory_space<hbm>>) target(%dma_start3A_120 : memref<128x32xf32, #tpu.memory_space<vmem>>) offsets(%dma_start3A_122 : memref<128xi32, #tpu.memory_space<vmem>>) semaphore(%arg20 : memref<!tpu.dma_semaphore, #tpu.memory_space<semaphore_mem>>)
    %dma_start3A_126 = arith.constant 384 : i32
    %dma_start3A_127 = arith.constant 0 : i32
    %dma_start3A_128 = tpu.memref_slice %arg15[%dma_start3A_126, %dma_start3A_127] : memref<512x32xf32, #tpu.memory_space<vmem>> -> memref<128x32xf32, #tpu.memory_space<vmem>>
    %dma_start3A_129 = arith.constant 384 : i32
    %dma_start3A_130 = tpu.memref_slice %arg12[%dma_start3A_129] : memref<512xi32, #tpu.memory_space<vmem>> -> memref<128xi32, #tpu.memory_space<vmem>>
    %dma_start3A_131 = arith.constant 0 : i32
    %dma_start3A_132 = arith.constant 0 : i32
    %dma_start3A_133 = tpu.memref_slice %arg6[%dma_start3A_131, %dma_start3A_132] : memref<1000000x32xf32, #tpu.memory_space<hbm>> -> memref<1000000x32xf32, #tpu.memory_space<hbm>>
    tpu.enqueue_indirect_dma source(%dma_start3A_133 : memref<1000000x32xf32, #tpu.memory_space<hbm>>) target(%dma_start3A_128 : memref<128x32xf32, #tpu.memory_space<vmem>>) offsets(%dma_start3A_130 : memref<128xi32, #tpu.memory_space<vmem>>) semaphore(%arg20 : memref<!tpu.dma_semaphore, #tpu.memory_space<semaphore_mem>>)
    %dma_start3A_134 = arith.constant 384 : i32
    %dma_start3A_135 = tpu.memref_slice %arg16[%dma_start3A_134] : memref<512xf32, #tpu.memory_space<vmem>> -> memref<128xf32, #tpu.memory_space<vmem>>
    %dma_start3A_136 = arith.constant 384 : i32
    %dma_start3A_137 = tpu.memref_slice %arg11[%dma_start3A_136] : memref<512xi32, #tpu.memory_space<vmem>> -> memref<128xi32, #tpu.memory_space<vmem>>
    %dma_start3A_138 = arith.constant 0 : i32
    %dma_start3A_139 = tpu.memref_slice %arg7[%dma_start3A_138] : memref<1000000xf32, #tpu.memory_space<hbm>> -> memref<1000000xf32, #tpu.memory_space<hbm>>
    tpu.enqueue_indirect_dma source(%dma_start3A_139 : memref<1000000xf32, #tpu.memory_space<hbm>>) target(%dma_start3A_135 : memref<128xf32, #tpu.memory_space<vmem>>) offsets(%dma_start3A_137 : memref<128xi32, #tpu.memory_space<vmem>>) semaphore(%arg20 : memref<!tpu.dma_semaphore, #tpu.memory_space<semaphore_mem>>)
    %dma_start3A_140 = arith.constant 384 : i32
    %dma_start3A_141 = tpu.memref_slice %arg17[%dma_start3A_140] : memref<512xf32, #tpu.memory_space<vmem>> -> memref<128xf32, #tpu.memory_space<vmem>>
    %dma_start3A_142 = arith.constant 384 : i32
    %dma_start3A_143 = tpu.memref_slice %arg12[%dma_start3A_142] : memref<512xi32, #tpu.memory_space<vmem>> -> memref<128xi32, #tpu.memory_space<vmem>>
    %dma_start3A_144 = arith.constant 0 : i32
    %dma_start3A_145 = tpu.memref_slice %arg7[%dma_start3A_144] : memref<1000000xf32, #tpu.memory_space<hbm>> -> memref<1000000xf32, #tpu.memory_space<hbm>>
    tpu.enqueue_indirect_dma source(%dma_start3A_145 : memref<1000000xf32, #tpu.memory_space<hbm>>) target(%dma_start3A_141 : memref<128xf32, #tpu.memory_space<vmem>>) offsets(%dma_start3A_143 : memref<128xi32, #tpu.memory_space<vmem>>) semaphore(%arg20 : memref<!tpu.dma_semaphore, #tpu.memory_space<semaphore_mem>>)
    %dma_wait3A = arith.constant 0 : i32
    %dma_wait3A_146 = arith.constant 0 : i32
    %dma_wait3A_147 = tpu.memref_slice %arg5[%dma_wait3A, %dma_wait3A_146] : memref<1000000x32xf32, #tpu.memory_space<hbm>> -> memref<512x32xf32, #tpu.memory_space<hbm>>
    %dma_wait3A_148 = arith.constant 0 : i32
    %dma_wait3A_149 = arith.constant 0 : i32
    %dma_wait3A_150 = tpu.memref_slice %arg5[%dma_wait3A_148, %dma_wait3A_149] : memref<1000000x32xf32, #tpu.memory_space<hbm>> -> memref<512x32xf32, #tpu.memory_space<hbm>>
    tpu.wait_dma2 semaphore(%arg20 : memref<!tpu.dma_semaphore, #tpu.memory_space<semaphore_mem>>) src(%dma_wait3A_150 : memref<512x32xf32, #tpu.memory_space<hbm>>) dst(%arg13 : memref<512x32xf32, #tpu.memory_space<vmem>>)
    %dma_wait3A_151 = arith.constant 0 : i32
    %dma_wait3A_152 = arith.constant 0 : i32
    %dma_wait3A_153 = tpu.memref_slice %arg5[%dma_wait3A_151, %dma_wait3A_152] : memref<1000000x32xf32, #tpu.memory_space<hbm>> -> memref<512x32xf32, #tpu.memory_space<hbm>>
    %dma_wait3A_154 = arith.constant 0 : i32
    %dma_wait3A_155 = arith.constant 0 : i32
    %dma_wait3A_156 = tpu.memref_slice %arg5[%dma_wait3A_154, %dma_wait3A_155] : memref<1000000x32xf32, #tpu.memory_space<hbm>> -> memref<512x32xf32, #tpu.memory_space<hbm>>
    tpu.wait_dma2 semaphore(%arg20 : memref<!tpu.dma_semaphore, #tpu.memory_space<semaphore_mem>>) src(%dma_wait3A_156 : memref<512x32xf32, #tpu.memory_space<hbm>>) dst(%arg14 : memref<512x32xf32, #tpu.memory_space<vmem>>)
    %dma_wait3A_157 = arith.constant 0 : i32
    %dma_wait3A_158 = arith.constant 0 : i32
    %dma_wait3A_159 = tpu.memref_slice %arg5[%dma_wait3A_157, %dma_wait3A_158] : memref<1000000x32xf32, #tpu.memory_space<hbm>> -> memref<512x32xf32, #tpu.memory_space<hbm>>
    %dma_wait3A_160 = arith.constant 0 : i32
    %dma_wait3A_161 = arith.constant 0 : i32
    %dma_wait3A_162 = tpu.memref_slice %arg5[%dma_wait3A_160, %dma_wait3A_161] : memref<1000000x32xf32, #tpu.memory_space<hbm>> -> memref<512x32xf32, #tpu.memory_space<hbm>>
    tpu.wait_dma2 semaphore(%arg20 : memref<!tpu.dma_semaphore, #tpu.memory_space<semaphore_mem>>) src(%dma_wait3A_162 : memref<512x32xf32, #tpu.memory_space<hbm>>) dst(%arg15 : memref<512x32xf32, #tpu.memory_space<vmem>>)
    %dma_wait3A_163 = arith.constant 0 : i32
    %dma_wait3A_164 = tpu.memref_slice %arg7[%dma_wait3A_163] : memref<1000000xf32, #tpu.memory_space<hbm>> -> memref<512xf32, #tpu.memory_space<hbm>>
    %dma_wait3A_165 = arith.constant 0 : i32
    %dma_wait3A_166 = tpu.memref_slice %arg7[%dma_wait3A_165] : memref<1000000xf32, #tpu.memory_space<hbm>> -> memref<512xf32, #tpu.memory_space<hbm>>
    tpu.wait_dma2 semaphore(%arg20 : memref<!tpu.dma_semaphore, #tpu.memory_space<semaphore_mem>>) src(%dma_wait3A_166 : memref<512xf32, #tpu.memory_space<hbm>>) dst(%arg16 : memref<512xf32, #tpu.memory_space<vmem>>)
    %dma_wait3A_167 = arith.constant 0 : i32
    %dma_wait3A_168 = tpu.memref_slice %arg7[%dma_wait3A_167] : memref<1000000xf32, #tpu.memory_space<hbm>> -> memref<512xf32, #tpu.memory_space<hbm>>
    %dma_wait3A_169 = arith.constant 0 : i32
    %dma_wait3A_170 = tpu.memref_slice %arg7[%dma_wait3A_169] : memref<1000000xf32, #tpu.memory_space<hbm>> -> memref<512xf32, #tpu.memory_space<hbm>>
    tpu.wait_dma2 semaphore(%arg20 : memref<!tpu.dma_semaphore, #tpu.memory_space<semaphore_mem>>) src(%dma_wait3A_170 : memref<512xf32, #tpu.memory_space<hbm>>) dst(%arg17 : memref<512xf32, #tpu.memory_space<vmem>>)
    %iota3A = tpu.iota {dimensions = array<i32: 0>} : vector<16xi32>
    %scan3A = arith.constant 0 : i32
    %scan3A_171 = arith.constant 0 : i32
    %scan3A_172 = arith.constant 32 : i32
    %scan3A_173 = arith.addi %scan3A_171, %scan3A_172 : i32
    %scan3A_174 = arith.constant 1 : i32
    scf.for %scan3A_176 = %scan3A_171 to %scan3A_173 step %scan3A_174  : i32 {
      %mul3A_177 = arith.constant 16 : i32
      %mul3A_178 = arith.muli %scan3A_176, %mul3A_177 : i32
      %add3A_179 = vector.broadcast %mul3A_178 : i32 to vector<16xi32>
      %add3A_180 = arith.addi %add3A_179, %iota3A : vector<16xi32>
      %get3A = arith.index_cast %mul3A_178 : i32 to index
      %get3A_181 = tpu.vector_load %arg16[%get3A] {strides = array<i32>} : memref<512xf32, #tpu.memory_space<vmem>>, vector<16xf32>,
      %get3A_182 = arith.index_cast %mul3A_178 : i32 to index
      %get3A_183 = tpu.vector_load %arg17[%get3A_182] {strides = array<i32>} : memref<512xf32, #tpu.memory_space<vmem>>, vector<16xf32>,
      %broadcast_in_dim3A = arith.constant 0 : i32
      %broadcast_in_dim3A_184 = vector.broadcast %broadcast_in_dim3A : i32 to vector<16xi32>
      %gather3A = tpu.vector_load_idx %arg13[%add3A_180, %broadcast_in_dim3A_184] : memref<512x32xf32, #tpu.memory_space<vmem>>[vector<16xi32>, vector<16xi32>], vector<16xf32>,
      %gather3A_185 = tpu.vector_load_idx %arg14[%add3A_180, %broadcast_in_dim3A_184] : memref<512x32xf32, #tpu.memory_space<vmem>>[vector<16xi32>, vector<16xi32>], vector<16xf32>,
      %gather3A_186 = tpu.vector_load_idx %arg15[%add3A_180, %broadcast_in_dim3A_184] : memref<512x32xf32, #tpu.memory_space<vmem>>[vector<16xi32>, vector<16xi32>], vector<16xf32>,
      %mul3A_187 = arith.mulf %gather3A, %gather3A_185 : vector<16xf32>
      %add3A_188 = arith.addf %get3A_181, %mul3A_187 : vector<16xf32>
      %mul3A_189 = arith.mulf %gather3A, %gather3A_186 : vector<16xf32>
      %add3A_190 = arith.addf %get3A_183, %mul3A_189 : vector<16xf32>
      %broadcast_in_dim3A_191 = arith.constant 1 : i32
      %broadcast_in_dim3A_192 = vector.broadcast %broadcast_in_dim3A_191 : i32 to vector<16xi32>
      %gather3A_193 = tpu.vector_load_idx %arg13[%add3A_180, %broadcast_in_dim3A_192] : memref<512x32xf32, #tpu.memory_space<vmem>>[vector<16xi32>, vector<16xi32>], vector<16xf32>,
      %gather3A_194 = tpu.vector_load_idx %arg14[%add3A_180, %broadcast_in_dim3A_192] : memref<512x32xf32, #tpu.memory_space<vmem>>[vector<16xi32>, vector<16xi32>], vector<16xf32>,
      %gather3A_195 = tpu.vector_load_idx %arg15[%add3A_180, %broadcast_in_dim3A_192] : memref<512x32xf32, #tpu.memory_space<vmem>>[vector<16xi32>, vector<16xi32>], vector<16xf32>,
      %mul3A_196 = arith.mulf %gather3A_193, %gather3A_194 : vector<16xf32>
      %add3A_197 = arith.addf %add3A_188, %mul3A_196 : vector<16xf32>
      %mul3A_198 = arith.mulf %gather3A_193, %gather3A_195 : vector<16xf32>
      %add3A_199 = arith.addf %add3A_190, %mul3A_198 : vector<16xf32>
      %broadcast_in_dim3A_200 = arith.constant 2 : i32
      %broadcast_in_dim3A_201 = vector.broadcast %broadcast_in_dim3A_200 : i32 to vector<16xi32>
      %gather3A_202 = tpu.vector_load_idx %arg13[%add3A_180, %broadcast_in_dim3A_201] : memref<512x32xf32, #tpu.memory_space<vmem>>[vector<16xi32>, vector<16xi32>], vector<16xf32>,
      %gather3A_203 = tpu.vector_load_idx %arg14[%add3A_180, %broadcast_in_dim3A_201] : memref<512x32xf32, #tpu.memory_space<vmem>>[vector<16xi32>, vector<16xi32>], vector<16xf32>,
      %gather3A_204 = tpu.vector_load_idx %arg15[%add3A_180, %broadcast_in_dim3A_201] : memref<512x32xf32, #tpu.memory_space<vmem>>[vector<16xi32>, vector<16xi32>], vector<16xf32>,
      %mul3A_205 = arith.mulf %gather3A_202, %gather3A_203 : vector<16xf32>
      %add3A_206 = arith.addf %add3A_197, %mul3A_205 : vector<16xf32>
      %mul3A_207 = arith.mulf %gather3A_202, %gather3A_204 : vector<16xf32>
      %add3A_208 = arith.addf %add3A_199, %mul3A_207 : vector<16xf32>
      %broadcast_in_dim3A_209 = arith.constant 3 : i32
      %broadcast_in_dim3A_210 = vector.broadcast %broadcast_in_dim3A_209 : i32 to vector<16xi32>
      %gather3A_211 = tpu.vector_load_idx %arg13[%add3A_180, %broadcast_in_dim3A_210] : memref<512x32xf32, #tpu.memory_space<vmem>>[vector<16xi32>, vector<16xi32>], vector<16xf32>,
      %gather3A_212 = tpu.vector_load_idx %arg14[%add3A_180, %broadcast_in_dim3A_210] : memref<512x32xf32, #tpu.memory_space<vmem>>[vector<16xi32>, vector<16xi32>], vector<16xf32>,
      %gather3A_213 = tpu.vector_load_idx %arg15[%add3A_180, %broadcast_in_dim3A_210] : memref<512x32xf32, #tpu.memory_space<vmem>>[vector<16xi32>, vector<16xi32>], vector<16xf32>,
      %mul3A_214 = arith.mulf %gather3A_211, %gather3A_212 : vector<16xf32>
      %add3A_215 = arith.addf %add3A_206, %mul3A_214 : vector<16xf32>
      %mul3A_216 = arith.mulf %gather3A_211, %gather3A_213 : vector<16xf32>
      %add3A_217 = arith.addf %add3A_208, %mul3A_216 : vector<16xf32>
      %broadcast_in_dim3A_218 = arith.constant 4 : i32
      %broadcast_in_dim3A_219 = vector.broadcast %broadcast_in_dim3A_218 : i32 to vector<16xi32>
      %gather3A_220 = tpu.vector_load_idx %arg13[%add3A_180, %broadcast_in_dim3A_219] : memref<512x32xf32, #tpu.memory_space<vmem>>[vector<16xi32>, vector<16xi32>], vector<16xf32>,
      %gather3A_221 = tpu.vector_load_idx %arg14[%add3A_180, %broadcast_in_dim3A_219] : memref<512x32xf32, #tpu.memory_space<vmem>>[vector<16xi32>, vector<16xi32>], vector<16xf32>,
      %gather3A_222 = tpu.vector_load_idx %arg15[%add3A_180, %broadcast_in_dim3A_219] : memref<512x32xf32, #tpu.memory_space<vmem>>[vector<16xi32>, vector<16xi32>], vector<16xf32>,
      %mul3A_223 = arith.mulf %gather3A_220, %gather3A_221 : vector<16xf32>
      %add3A_224 = arith.addf %add3A_215, %mul3A_223 : vector<16xf32>
      %mul3A_225 = arith.mulf %gather3A_220, %gather3A_222 : vector<16xf32>
      %add3A_226 = arith.addf %add3A_217, %mul3A_225 : vector<16xf32>
      %broadcast_in_dim3A_227 = arith.constant 5 : i32
      %broadcast_in_dim3A_228 = vector.broadcast %broadcast_in_dim3A_227 : i32 to vector<16xi32>
      %gather3A_229 = tpu.vector_load_idx %arg13[%add3A_180, %broadcast_in_dim3A_228] : memref<512x32xf32, #tpu.memory_space<vmem>>[vector<16xi32>, vector<16xi32>], vector<16xf32>,
      %gather3A_230 = tpu.vector_load_idx %arg14[%add3A_180, %broadcast_in_dim3A_228] : memref<512x32xf32, #tpu.memory_space<vmem>>[vector<16xi32>, vector<16xi32>], vector<16xf32>,
      %gather3A_231 = tpu.vector_load_idx %arg15[%add3A_180, %broadcast_in_dim3A_228] : memref<512x32xf32, #tpu.memory_space<vmem>>[vector<16xi32>, vector<16xi32>], vector<16xf32>,
      %mul3A_232 = arith.mulf %gather3A_229, %gather3A_230 : vector<16xf32>
      %add3A_233 = arith.addf %add3A_224, %mul3A_232 : vector<16xf32>
      %mul3A_234 = arith.mulf %gather3A_229, %gather3A_231 : vector<16xf32>
      %add3A_235 = arith.addf %add3A_226, %mul3A_234 : vector<16xf32>
      %broadcast_in_dim3A_236 = arith.constant 6 : i32
      %broadcast_in_dim3A_237 = vector.broadcast %broadcast_in_dim3A_236 : i32 to vector<16xi32>
      %gather3A_238 = tpu.vector_load_idx %arg13[%add3A_180, %broadcast_in_dim3A_237] : memref<512x32xf32, #tpu.memory_space<vmem>>[vector<16xi32>, vector<16xi32>], vector<16xf32>,
      %gather3A_239 = tpu.vector_load_idx %arg14[%add3A_180, %broadcast_in_dim3A_237] : memref<512x32xf32, #tpu.memory_space<vmem>>[vector<16xi32>, vector<16xi32>], vector<16xf32>,
      %gather3A_240 = tpu.vector_load_idx %arg15[%add3A_180, %broadcast_in_dim3A_237] : memref<512x32xf32, #tpu.memory_space<vmem>>[vector<16xi32>, vector<16xi32>], vector<16xf32>,
      %mul3A_241 = arith.mulf %gather3A_238, %gather3A_239 : vector<16xf32>
      %add3A_242 = arith.addf %add3A_233, %mul3A_241 : vector<16xf32>
      %mul3A_243 = arith.mulf %gather3A_238, %gather3A_240 : vector<16xf32>
      %add3A_244 = arith.addf %add3A_235, %mul3A_243 : vector<16xf32>
      %broadcast_in_dim3A_245 = arith.constant 7 : i32
      %broadcast_in_dim3A_246 = vector.broadcast %broadcast_in_dim3A_245 : i32 to vector<16xi32>
      %gather3A_247 = tpu.vector_load_idx %arg13[%add3A_180, %broadcast_in_dim3A_246] : memref<512x32xf32, #tpu.memory_space<vmem>>[vector<16xi32>, vector<16xi32>], vector<16xf32>,
      %gather3A_248 = tpu.vector_load_idx %arg14[%add3A_180, %broadcast_in_dim3A_246] : memref<512x32xf32, #tpu.memory_space<vmem>>[vector<16xi32>, vector<16xi32>], vector<16xf32>,
      %gather3A_249 = tpu.vector_load_idx %arg15[%add3A_180, %broadcast_in_dim3A_246] : memref<512x32xf32, #tpu.memory_space<vmem>>[vector<16xi32>, vector<16xi32>], vector<16xf32>,
      %mul3A_250 = arith.mulf %gather3A_247, %gather3A_248 : vector<16xf32>
      %add3A_251 = arith.addf %add3A_242, %mul3A_250 : vector<16xf32>
      %mul3A_252 = arith.mulf %gather3A_247, %gather3A_249 : vector<16xf32>
      %add3A_253 = arith.addf %add3A_244, %mul3A_252 : vector<16xf32>
      %broadcast_in_dim3A_254 = arith.constant 8 : i32
      %broadcast_in_dim3A_255 = vector.broadcast %broadcast_in_dim3A_254 : i32 to vector<16xi32>
      %gather3A_256 = tpu.vector_load_idx %arg13[%add3A_180, %broadcast_in_dim3A_255] : memref<512x32xf32, #tpu.memory_space<vmem>>[vector<16xi32>, vector<16xi32>], vector<16xf32>,
      %gather3A_257 = tpu.vector_load_idx %arg14[%add3A_180, %broadcast_in_dim3A_255] : memref<512x32xf32, #tpu.memory_space<vmem>>[vector<16xi32>, vector<16xi32>], vector<16xf32>,
      %gather3A_258 = tpu.vector_load_idx %arg15[%add3A_180, %broadcast_in_dim3A_255] : memref<512x32xf32, #tpu.memory_space<vmem>>[vector<16xi32>, vector<16xi32>], vector<16xf32>,
      %mul3A_259 = arith.mulf %gather3A_256, %gather3A_257 : vector<16xf32>
      %add3A_260 = arith.addf %add3A_251, %mul3A_259 : vector<16xf32>
      %mul3A_261 = arith.mulf %gather3A_256, %gather3A_258 : vector<16xf32>
      %add3A_262 = arith.addf %add3A_253, %mul3A_261 : vector<16xf32>
      %broadcast_in_dim3A_263 = arith.constant 9 : i32
      %broadcast_in_dim3A_264 = vector.broadcast %broadcast_in_dim3A_263 : i32 to vector<16xi32>
      %gather3A_265 = tpu.vector_load_idx %arg13[%add3A_180, %broadcast_in_dim3A_264] : memref<512x32xf32, #tpu.memory_space<vmem>>[vector<16xi32>, vector<16xi32>], vector<16xf32>,
      %gather3A_266 = tpu.vector_load_idx %arg14[%add3A_180, %broadcast_in_dim3A_264] : memref<512x32xf32, #tpu.memory_space<vmem>>[vector<16xi32>, vector<16xi32>], vector<16xf32>,
      %gather3A_267 = tpu.vector_load_idx %arg15[%add3A_180, %broadcast_in_dim3A_264] : memref<512x32xf32, #tpu.memory_space<vmem>>[vector<16xi32>, vector<16xi32>], vector<16xf32>,
      %mul3A_268 = arith.mulf %gather3A_265, %gather3A_266 : vector<16xf32>
      %add3A_269 = arith.addf %add3A_260, %mul3A_268 : vector<16xf32>
      %mul3A_270 = arith.mulf %gather3A_265, %gather3A_267 : vector<16xf32>
      %add3A_271 = arith.addf %add3A_262, %mul3A_270 : vector<16xf32>
      %broadcast_in_dim3A_272 = arith.constant 10 : i32
      %broadcast_in_dim3A_273 = vector.broadcast %broadcast_in_dim3A_272 : i32 to vector<16xi32>
      %gather3A_274 = tpu.vector_load_idx %arg13[%add3A_180, %broadcast_in_dim3A_273] : memref<512x32xf32, #tpu.memory_space<vmem>>[vector<16xi32>, vector<16xi32>], vector<16xf32>,
      %gather3A_275 = tpu.vector_load_idx %arg14[%add3A_180, %broadcast_in_dim3A_273] : memref<512x32xf32, #tpu.memory_space<vmem>>[vector<16xi32>, vector<16xi32>], vector<16xf32>,
      %gather3A_276 = tpu.vector_load_idx %arg15[%add3A_180, %broadcast_in_dim3A_273] : memref<512x32xf32, #tpu.memory_space<vmem>>[vector<16xi32>, vector<16xi32>], vector<16xf32>,
      %mul3A_277 = arith.mulf %gather3A_274, %gather3A_275 : vector<16xf32>
      %add3A_278 = arith.addf %add3A_269, %mul3A_277 : vector<16xf32>
      %mul3A_279 = arith.mulf %gather3A_274, %gather3A_276 : vector<16xf32>
      %add3A_280 = arith.addf %add3A_271, %mul3A_279 : vector<16xf32>
      %broadcast_in_dim3A_281 = arith.constant 11 : i32
      %broadcast_in_dim3A_282 = vector.broadcast %broadcast_in_dim3A_281 : i32 to vector<16xi32>
      %gather3A_283 = tpu.vector_load_idx %arg13[%add3A_180, %broadcast_in_dim3A_282] : memref<512x32xf32, #tpu.memory_space<vmem>>[vector<16xi32>, vector<16xi32>], vector<16xf32>,
      %gather3A_284 = tpu.vector_load_idx %arg14[%add3A_180, %broadcast_in_dim3A_282] : memref<512x32xf32, #tpu.memory_space<vmem>>[vector<16xi32>, vector<16xi32>], vector<16xf32>,
      %gather3A_285 = tpu.vector_load_idx %arg15[%add3A_180, %broadcast_in_dim3A_282] : memref<512x32xf32, #tpu.memory_space<vmem>>[vector<16xi32>, vector<16xi32>], vector<16xf32>,
      %mul3A_286 = arith.mulf %gather3A_283, %gather3A_284 : vector<16xf32>
      %add3A_287 = arith.addf %add3A_278, %mul3A_286 : vector<16xf32>
      %mul3A_288 = arith.mulf %gather3A_283, %gather3A_285 : vector<16xf32>
      %add3A_289 = arith.addf %add3A_280, %mul3A_288 : vector<16xf32>
      %broadcast_in_dim3A_290 = arith.constant 12 : i32
      %broadcast_in_dim3A_291 = vector.broadcast %broadcast_in_dim3A_290 : i32 to vector<16xi32>
      %gather3A_292 = tpu.vector_load_idx %arg13[%add3A_180, %broadcast_in_dim3A_291] : memref<512x32xf32, #tpu.memory_space<vmem>>[vector<16xi32>, vector<16xi32>], vector<16xf32>,
      %gather3A_293 = tpu.vector_load_idx %arg14[%add3A_180, %broadcast_in_dim3A_291] : memref<512x32xf32, #tpu.memory_space<vmem>>[vector<16xi32>, vector<16xi32>], vector<16xf32>,
      %gather3A_294 = tpu.vector_load_idx %arg15[%add3A_180, %broadcast_in_dim3A_291] : memref<512x32xf32, #tpu.memory_space<vmem>>[vector<16xi32>, vector<16xi32>], vector<16xf32>,
      %mul3A_295 = arith.mulf %gather3A_292, %gather3A_293 : vector<16xf32>
      %add3A_296 = arith.addf %add3A_287, %mul3A_295 : vector<16xf32>
      %mul3A_297 = arith.mulf %gather3A_292, %gather3A_294 : vector<16xf32>
      %add3A_298 = arith.addf %add3A_289, %mul3A_297 : vector<16xf32>
      %broadcast_in_dim3A_299 = arith.constant 13 : i32
      %broadcast_in_dim3A_300 = vector.broadcast %broadcast_in_dim3A_299 : i32 to vector<16xi32>
      %gather3A_301 = tpu.vector_load_idx %arg13[%add3A_180, %broadcast_in_dim3A_300] : memref<512x32xf32, #tpu.memory_space<vmem>>[vector<16xi32>, vector<16xi32>], vector<16xf32>,
      %gather3A_302 = tpu.vector_load_idx %arg14[%add3A_180, %broadcast_in_dim3A_300] : memref<512x32xf32, #tpu.memory_space<vmem>>[vector<16xi32>, vector<16xi32>], vector<16xf32>,
      %gather3A_303 = tpu.vector_load_idx %arg15[%add3A_180, %broadcast_in_dim3A_300] : memref<512x32xf32, #tpu.memory_space<vmem>>[vector<16xi32>, vector<16xi32>], vector<16xf32>,
      %mul3A_304 = arith.mulf %gather3A_301, %gather3A_302 : vector<16xf32>
      %add3A_305 = arith.addf %add3A_296, %mul3A_304 : vector<16xf32>
      %mul3A_306 = arith.mulf %gather3A_301, %gather3A_303 : vector<16xf32>
      %add3A_307 = arith.addf %add3A_298, %mul3A_306 : vector<16xf32>
      %broadcast_in_dim3A_308 = arith.constant 14 : i32
      %broadcast_in_dim3A_309 = vector.broadcast %broadcast_in_dim3A_308 : i32 to vector<16xi32>
      %gather3A_310 = tpu.vector_load_idx %arg13[%add3A_180, %broadcast_in_dim3A_309] : memref<512x32xf32, #tpu.memory_space<vmem>>[vector<16xi32>, vector<16xi32>], vector<16xf32>,
      %gather3A_311 = tpu.vector_load_idx %arg14[%add3A_180, %broadcast_in_dim3A_309] : memref<512x32xf32, #tpu.memory_space<vmem>>[vector<16xi32>, vector<16xi32>], vector<16xf32>,
      %gather3A_312 = tpu.vector_load_idx %arg15[%add3A_180, %broadcast_in_dim3A_309] : memref<512x32xf32, #tpu.memory_space<vmem>>[vector<16xi32>, vector<16xi32>], vector<16xf32>,
      %mul3A_313 = arith.mulf %gather3A_310, %gather3A_311 : vector<16xf32>
      %add3A_314 = arith.addf %add3A_305, %mul3A_313 : vector<16xf32>
      %mul3A_315 = arith.mulf %gather3A_310, %gather3A_312 : vector<16xf32>
      %add3A_316 = arith.addf %add3A_307, %mul3A_315 : vector<16xf32>
      %broadcast_in_dim3A_317 = arith.constant 15 : i32
      %broadcast_in_dim3A_318 = vector.broadcast %broadcast_in_dim3A_317 : i32 to vector<16xi32>
      %gather3A_319 = tpu.vector_load_idx %arg13[%add3A_180, %broadcast_in_dim3A_318] : memref<512x32xf32, #tpu.memory_space<vmem>>[vector<16xi32>, vector<16xi32>], vector<16xf32>,
      %gather3A_320 = tpu.vector_load_idx %arg14[%add3A_180, %broadcast_in_dim3A_318] : memref<512x32xf32, #tpu.memory_space<vmem>>[vector<16xi32>, vector<16xi32>], vector<16xf32>,
      %gather3A_321 = tpu.vector_load_idx %arg15[%add3A_180, %broadcast_in_dim3A_318] : memref<512x32xf32, #tpu.memory_space<vmem>>[vector<16xi32>, vector<16xi32>], vector<16xf32>,
      %mul3A_322 = arith.mulf %gather3A_319, %gather3A_320 : vector<16xf32>
      %add3A_323 = arith.addf %add3A_314, %mul3A_322 : vector<16xf32>
      %mul3A_324 = arith.mulf %gather3A_319, %gather3A_321 : vector<16xf32>
      %add3A_325 = arith.addf %add3A_316, %mul3A_324 : vector<16xf32>
      %broadcast_in_dim3A_326 = arith.constant 16 : i32
      %broadcast_in_dim3A_327 = vector.broadcast %broadcast_in_dim3A_326 : i32 to vector<16xi32>
      %gather3A_328 = tpu.vector_load_idx %arg13[%add3A_180, %broadcast_in_dim3A_327] : memref<512x32xf32, #tpu.memory_space<vmem>>[vector<16xi32>, vector<16xi32>], vector<16xf32>,
      %gather3A_329 = tpu.vector_load_idx %arg14[%add3A_180, %broadcast_in_dim3A_327] : memref<512x32xf32, #tpu.memory_space<vmem>>[vector<16xi32>, vector<16xi32>], vector<16xf32>,
      %gather3A_330 = tpu.vector_load_idx %arg15[%add3A_180, %broadcast_in_dim3A_327] : memref<512x32xf32, #tpu.memory_space<vmem>>[vector<16xi32>, vector<16xi32>], vector<16xf32>,
      %mul3A_331 = arith.mulf %gather3A_328, %gather3A_329 : vector<16xf32>
      %add3A_332 = arith.addf %add3A_323, %mul3A_331 : vector<16xf32>
      %mul3A_333 = arith.mulf %gather3A_328, %gather3A_330 : vector<16xf32>
      %add3A_334 = arith.addf %add3A_325, %mul3A_333 : vector<16xf32>
      %broadcast_in_dim3A_335 = arith.constant 17 : i32
      %broadcast_in_dim3A_336 = vector.broadcast %broadcast_in_dim3A_335 : i32 to vector<16xi32>
      %gather3A_337 = tpu.vector_load_idx %arg13[%add3A_180, %broadcast_in_dim3A_336] : memref<512x32xf32, #tpu.memory_space<vmem>>[vector<16xi32>, vector<16xi32>], vector<16xf32>,
      %gather3A_338 = tpu.vector_load_idx %arg14[%add3A_180, %broadcast_in_dim3A_336] : memref<512x32xf32, #tpu.memory_space<vmem>>[vector<16xi32>, vector<16xi32>], vector<16xf32>,
      %gather3A_339 = tpu.vector_load_idx %arg15[%add3A_180, %broadcast_in_dim3A_336] : memref<512x32xf32, #tpu.memory_space<vmem>>[vector<16xi32>, vector<16xi32>], vector<16xf32>,
      %mul3A_340 = arith.mulf %gather3A_337, %gather3A_338 : vector<16xf32>
      %add3A_341 = arith.addf %add3A_332, %mul3A_340 : vector<16xf32>
      %mul3A_342 = arith.mulf %gather3A_337, %gather3A_339 : vector<16xf32>
      %add3A_343 = arith.addf %add3A_334, %mul3A_342 : vector<16xf32>
      %broadcast_in_dim3A_344 = arith.constant 18 : i32
      %broadcast_in_dim3A_345 = vector.broadcast %broadcast_in_dim3A_344 : i32 to vector<16xi32>
      %gather3A_346 = tpu.vector_load_idx %arg13[%add3A_180, %broadcast_in_dim3A_345] : memref<512x32xf32, #tpu.memory_space<vmem>>[vector<16xi32>, vector<16xi32>], vector<16xf32>,
      %gather3A_347 = tpu.vector_load_idx %arg14[%add3A_180, %broadcast_in_dim3A_345] : memref<512x32xf32, #tpu.memory_space<vmem>>[vector<16xi32>, vector<16xi32>], vector<16xf32>,
      %gather3A_348 = tpu.vector_load_idx %arg15[%add3A_180, %broadcast_in_dim3A_345] : memref<512x32xf32, #tpu.memory_space<vmem>>[vector<16xi32>, vector<16xi32>], vector<16xf32>,
      %mul3A_349 = arith.mulf %gather3A_346, %gather3A_347 : vector<16xf32>
      %add3A_350 = arith.addf %add3A_341, %mul3A_349 : vector<16xf32>
      %mul3A_351 = arith.mulf %gather3A_346, %gather3A_348 : vector<16xf32>
      %add3A_352 = arith.addf %add3A_343, %mul3A_351 : vector<16xf32>
      %broadcast_in_dim3A_353 = arith.constant 19 : i32
      %broadcast_in_dim3A_354 = vector.broadcast %broadcast_in_dim3A_353 : i32 to vector<16xi32>
      %gather3A_355 = tpu.vector_load_idx %arg13[%add3A_180, %broadcast_in_dim3A_354] : memref<512x32xf32, #tpu.memory_space<vmem>>[vector<16xi32>, vector<16xi32>], vector<16xf32>,
      %gather3A_356 = tpu.vector_load_idx %arg14[%add3A_180, %broadcast_in_dim3A_354] : memref<512x32xf32, #tpu.memory_space<vmem>>[vector<16xi32>, vector<16xi32>], vector<16xf32>,
      %gather3A_357 = tpu.vector_load_idx %arg15[%add3A_180, %broadcast_in_dim3A_354] : memref<512x32xf32, #tpu.memory_space<vmem>>[vector<16xi32>, vector<16xi32>], vector<16xf32>,
      %mul3A_358 = arith.mulf %gather3A_355, %gather3A_356 : vector<16xf32>
      %add3A_359 = arith.addf %add3A_350, %mul3A_358 : vector<16xf32>
      %mul3A_360 = arith.mulf %gather3A_355, %gather3A_357 : vector<16xf32>
      %add3A_361 = arith.addf %add3A_352, %mul3A_360 : vector<16xf32>
      %broadcast_in_dim3A_362 = arith.constant 20 : i32
      %broadcast_in_dim3A_363 = vector.broadcast %broadcast_in_dim3A_362 : i32 to vector<16xi32>
      %gather3A_364 = tpu.vector_load_idx %arg13[%add3A_180, %broadcast_in_dim3A_363] : memref<512x32xf32, #tpu.memory_space<vmem>>[vector<16xi32>, vector<16xi32>], vector<16xf32>,
      %gather3A_365 = tpu.vector_load_idx %arg14[%add3A_180, %broadcast_in_dim3A_363] : memref<512x32xf32, #tpu.memory_space<vmem>>[vector<16xi32>, vector<16xi32>], vector<16xf32>,
      %gather3A_366 = tpu.vector_load_idx %arg15[%add3A_180, %broadcast_in_dim3A_363] : memref<512x32xf32, #tpu.memory_space<vmem>>[vector<16xi32>, vector<16xi32>], vector<16xf32>,
      %mul3A_367 = arith.mulf %gather3A_364, %gather3A_365 : vector<16xf32>
      %add3A_368 = arith.addf %add3A_359, %mul3A_367 : vector<16xf32>
      %mul3A_369 = arith.mulf %gather3A_364, %gather3A_366 : vector<16xf32>
      %add3A_370 = arith.addf %add3A_361, %mul3A_369 : vector<16xf32>
      %broadcast_in_dim3A_371 = arith.constant 21 : i32
      %broadcast_in_dim3A_372 = vector.broadcast %broadcast_in_dim3A_371 : i32 to vector<16xi32>
      %gather3A_373 = tpu.vector_load_idx %arg13[%add3A_180, %broadcast_in_dim3A_372] : memref<512x32xf32, #tpu.memory_space<vmem>>[vector<16xi32>, vector<16xi32>], vector<16xf32>,
      %gather3A_374 = tpu.vector_load_idx %arg14[%add3A_180, %broadcast_in_dim3A_372] : memref<512x32xf32, #tpu.memory_space<vmem>>[vector<16xi32>, vector<16xi32>], vector<16xf32>,
      %gather3A_375 = tpu.vector_load_idx %arg15[%add3A_180, %broadcast_in_dim3A_372] : memref<512x32xf32, #tpu.memory_space<vmem>>[vector<16xi32>, vector<16xi32>], vector<16xf32>,
      %mul3A_376 = arith.mulf %gather3A_373, %gather3A_374 : vector<16xf32>
      %add3A_377 = arith.addf %add3A_368, %mul3A_376 : vector<16xf32>
      %mul3A_378 = arith.mulf %gather3A_373, %gather3A_375 : vector<16xf32>
      %add3A_379 = arith.addf %add3A_370, %mul3A_378 : vector<16xf32>
      %broadcast_in_dim3A_380 = arith.constant 22 : i32
      %broadcast_in_dim3A_381 = vector.broadcast %broadcast_in_dim3A_380 : i32 to vector<16xi32>
      %gather3A_382 = tpu.vector_load_idx %arg13[%add3A_180, %broadcast_in_dim3A_381] : memref<512x32xf32, #tpu.memory_space<vmem>>[vector<16xi32>, vector<16xi32>], vector<16xf32>,
      %gather3A_383 = tpu.vector_load_idx %arg14[%add3A_180, %broadcast_in_dim3A_381] : memref<512x32xf32, #tpu.memory_space<vmem>>[vector<16xi32>, vector<16xi32>], vector<16xf32>,
      %gather3A_384 = tpu.vector_load_idx %arg15[%add3A_180, %broadcast_in_dim3A_381] : memref<512x32xf32, #tpu.memory_space<vmem>>[vector<16xi32>, vector<16xi32>], vector<16xf32>,
      %mul3A_385 = arith.mulf %gather3A_382, %gather3A_383 : vector<16xf32>
      %add3A_386 = arith.addf %add3A_377, %mul3A_385 : vector<16xf32>
      %mul3A_387 = arith.mulf %gather3A_382, %gather3A_384 : vector<16xf32>
      %add3A_388 = arith.addf %add3A_379, %mul3A_387 : vector<16xf32>
      %broadcast_in_dim3A_389 = arith.constant 23 : i32
      %broadcast_in_dim3A_390 = vector.broadcast %broadcast_in_dim3A_389 : i32 to vector<16xi32>
      %gather3A_391 = tpu.vector_load_idx %arg13[%add3A_180, %broadcast_in_dim3A_390] : memref<512x32xf32, #tpu.memory_space<vmem>>[vector<16xi32>, vector<16xi32>], vector<16xf32>,
      %gather3A_392 = tpu.vector_load_idx %arg14[%add3A_180, %broadcast_in_dim3A_390] : memref<512x32xf32, #tpu.memory_space<vmem>>[vector<16xi32>, vector<16xi32>], vector<16xf32>,
      %gather3A_393 = tpu.vector_load_idx %arg15[%add3A_180, %broadcast_in_dim3A_390] : memref<512x32xf32, #tpu.memory_space<vmem>>[vector<16xi32>, vector<16xi32>], vector<16xf32>,
      %mul3A_394 = arith.mulf %gather3A_391, %gather3A_392 : vector<16xf32>
      %add3A_395 = arith.addf %add3A_386, %mul3A_394 : vector<16xf32>
      %mul3A_396 = arith.mulf %gather3A_391, %gather3A_393 : vector<16xf32>
      %add3A_397 = arith.addf %add3A_388, %mul3A_396 : vector<16xf32>
      %broadcast_in_dim3A_398 = arith.constant 24 : i32
      %broadcast_in_dim3A_399 = vector.broadcast %broadcast_in_dim3A_398 : i32 to vector<16xi32>
      %gather3A_400 = tpu.vector_load_idx %arg13[%add3A_180, %broadcast_in_dim3A_399] : memref<512x32xf32, #tpu.memory_space<vmem>>[vector<16xi32>, vector<16xi32>], vector<16xf32>,
      %gather3A_401 = tpu.vector_load_idx %arg14[%add3A_180, %broadcast_in_dim3A_399] : memref<512x32xf32, #tpu.memory_space<vmem>>[vector<16xi32>, vector<16xi32>], vector<16xf32>,
      %gather3A_402 = tpu.vector_load_idx %arg15[%add3A_180, %broadcast_in_dim3A_399] : memref<512x32xf32, #tpu.memory_space<vmem>>[vector<16xi32>, vector<16xi32>], vector<16xf32>,
      %mul3A_403 = arith.mulf %gather3A_400, %gather3A_401 : vector<16xf32>
      %add3A_404 = arith.addf %add3A_395, %mul3A_403 : vector<16xf32>
      %mul3A_405 = arith.mulf %gather3A_400, %gather3A_402 : vector<16xf32>
      %add3A_406 = arith.addf %add3A_397, %mul3A_405 : vector<16xf32>
      %broadcast_in_dim3A_407 = arith.constant 25 : i32
      %broadcast_in_dim3A_408 = vector.broadcast %broadcast_in_dim3A_407 : i32 to vector<16xi32>
      %gather3A_409 = tpu.vector_load_idx %arg13[%add3A_180, %broadcast_in_dim3A_408] : memref<512x32xf32, #tpu.memory_space<vmem>>[vector<16xi32>, vector<16xi32>], vector<16xf32>,
      %gather3A_410 = tpu.vector_load_idx %arg14[%add3A_180, %broadcast_in_dim3A_408] : memref<512x32xf32, #tpu.memory_space<vmem>>[vector<16xi32>, vector<16xi32>], vector<16xf32>,
      %gather3A_411 = tpu.vector_load_idx %arg15[%add3A_180, %broadcast_in_dim3A_408] : memref<512x32xf32, #tpu.memory_space<vmem>>[vector<16xi32>, vector<16xi32>], vector<16xf32>,
      %mul3A_412 = arith.mulf %gather3A_409, %gather3A_410 : vector<16xf32>
      %add3A_413 = arith.addf %add3A_404, %mul3A_412 : vector<16xf32>
      %mul3A_414 = arith.mulf %gather3A_409, %gather3A_411 : vector<16xf32>
      %add3A_415 = arith.addf %add3A_406, %mul3A_414 : vector<16xf32>
      %broadcast_in_dim3A_416 = arith.constant 26 : i32
      %broadcast_in_dim3A_417 = vector.broadcast %broadcast_in_dim3A_416 : i32 to vector<16xi32>
      %gather3A_418 = tpu.vector_load_idx %arg13[%add3A_180, %broadcast_in_dim3A_417] : memref<512x32xf32, #tpu.memory_space<vmem>>[vector<16xi32>, vector<16xi32>], vector<16xf32>,
      %gather3A_419 = tpu.vector_load_idx %arg14[%add3A_180, %broadcast_in_dim3A_417] : memref<512x32xf32, #tpu.memory_space<vmem>>[vector<16xi32>, vector<16xi32>], vector<16xf32>,
      %gather3A_420 = tpu.vector_load_idx %arg15[%add3A_180, %broadcast_in_dim3A_417] : memref<512x32xf32, #tpu.memory_space<vmem>>[vector<16xi32>, vector<16xi32>], vector<16xf32>,
      %mul3A_421 = arith.mulf %gather3A_418, %gather3A_419 : vector<16xf32>
      %add3A_422 = arith.addf %add3A_413, %mul3A_421 : vector<16xf32>
      %mul3A_423 = arith.mulf %gather3A_418, %gather3A_420 : vector<16xf32>
      %add3A_424 = arith.addf %add3A_415, %mul3A_423 : vector<16xf32>
      %broadcast_in_dim3A_425 = arith.constant 27 : i32
      %broadcast_in_dim3A_426 = vector.broadcast %broadcast_in_dim3A_425 : i32 to vector<16xi32>
      %gather3A_427 = tpu.vector_load_idx %arg13[%add3A_180, %broadcast_in_dim3A_426] : memref<512x32xf32, #tpu.memory_space<vmem>>[vector<16xi32>, vector<16xi32>], vector<16xf32>,
      %gather3A_428 = tpu.vector_load_idx %arg14[%add3A_180, %broadcast_in_dim3A_426] : memref<512x32xf32, #tpu.memory_space<vmem>>[vector<16xi32>, vector<16xi32>], vector<16xf32>,
      %gather3A_429 = tpu.vector_load_idx %arg15[%add3A_180, %broadcast_in_dim3A_426] : memref<512x32xf32, #tpu.memory_space<vmem>>[vector<16xi32>, vector<16xi32>], vector<16xf32>,
      %mul3A_430 = arith.mulf %gather3A_427, %gather3A_428 : vector<16xf32>
      %add3A_431 = arith.addf %add3A_422, %mul3A_430 : vector<16xf32>
      %mul3A_432 = arith.mulf %gather3A_427, %gather3A_429 : vector<16xf32>
      %add3A_433 = arith.addf %add3A_424, %mul3A_432 : vector<16xf32>
      %broadcast_in_dim3A_434 = arith.constant 28 : i32
      %broadcast_in_dim3A_435 = vector.broadcast %broadcast_in_dim3A_434 : i32 to vector<16xi32>
      %gather3A_436 = tpu.vector_load_idx %arg13[%add3A_180, %broadcast_in_dim3A_435] : memref<512x32xf32, #tpu.memory_space<vmem>>[vector<16xi32>, vector<16xi32>], vector<16xf32>,
      %gather3A_437 = tpu.vector_load_idx %arg14[%add3A_180, %broadcast_in_dim3A_435] : memref<512x32xf32, #tpu.memory_space<vmem>>[vector<16xi32>, vector<16xi32>], vector<16xf32>,
      %gather3A_438 = tpu.vector_load_idx %arg15[%add3A_180, %broadcast_in_dim3A_435] : memref<512x32xf32, #tpu.memory_space<vmem>>[vector<16xi32>, vector<16xi32>], vector<16xf32>,
      %mul3A_439 = arith.mulf %gather3A_436, %gather3A_437 : vector<16xf32>
      %add3A_440 = arith.addf %add3A_431, %mul3A_439 : vector<16xf32>
      %mul3A_441 = arith.mulf %gather3A_436, %gather3A_438 : vector<16xf32>
      %add3A_442 = arith.addf %add3A_433, %mul3A_441 : vector<16xf32>
      %broadcast_in_dim3A_443 = arith.constant 29 : i32
      %broadcast_in_dim3A_444 = vector.broadcast %broadcast_in_dim3A_443 : i32 to vector<16xi32>
      %gather3A_445 = tpu.vector_load_idx %arg13[%add3A_180, %broadcast_in_dim3A_444] : memref<512x32xf32, #tpu.memory_space<vmem>>[vector<16xi32>, vector<16xi32>], vector<16xf32>,
      %gather3A_446 = tpu.vector_load_idx %arg14[%add3A_180, %broadcast_in_dim3A_444] : memref<512x32xf32, #tpu.memory_space<vmem>>[vector<16xi32>, vector<16xi32>], vector<16xf32>,
      %gather3A_447 = tpu.vector_load_idx %arg15[%add3A_180, %broadcast_in_dim3A_444] : memref<512x32xf32, #tpu.memory_space<vmem>>[vector<16xi32>, vector<16xi32>], vector<16xf32>,
      %mul3A_448 = arith.mulf %gather3A_445, %gather3A_446 : vector<16xf32>
      %add3A_449 = arith.addf %add3A_440, %mul3A_448 : vector<16xf32>
      %mul3A_450 = arith.mulf %gather3A_445, %gather3A_447 : vector<16xf32>
      %add3A_451 = arith.addf %add3A_442, %mul3A_450 : vector<16xf32>
      %broadcast_in_dim3A_452 = arith.constant 30 : i32
      %broadcast_in_dim3A_453 = vector.broadcast %broadcast_in_dim3A_452 : i32 to vector<16xi32>
      %gather3A_454 = tpu.vector_load_idx %arg13[%add3A_180, %broadcast_in_dim3A_453] : memref<512x32xf32, #tpu.memory_space<vmem>>[vector<16xi32>, vector<16xi32>], vector<16xf32>,
      %gather3A_455 = tpu.vector_load_idx %arg14[%add3A_180, %broadcast_in_dim3A_453] : memref<512x32xf32, #tpu.memory_space<vmem>>[vector<16xi32>, vector<16xi32>], vector<16xf32>,
      %gather3A_456 = tpu.vector_load_idx %arg15[%add3A_180, %broadcast_in_dim3A_453] : memref<512x32xf32, #tpu.memory_space<vmem>>[vector<16xi32>, vector<16xi32>], vector<16xf32>,
      %mul3A_457 = arith.mulf %gather3A_454, %gather3A_455 : vector<16xf32>
      %add3A_458 = arith.addf %add3A_449, %mul3A_457 : vector<16xf32>
      %mul3A_459 = arith.mulf %gather3A_454, %gather3A_456 : vector<16xf32>
      %add3A_460 = arith.addf %add3A_451, %mul3A_459 : vector<16xf32>
      %broadcast_in_dim3A_461 = arith.constant 31 : i32
      %broadcast_in_dim3A_462 = vector.broadcast %broadcast_in_dim3A_461 : i32 to vector<16xi32>
      %gather3A_463 = tpu.vector_load_idx %arg13[%add3A_180, %broadcast_in_dim3A_462] : memref<512x32xf32, #tpu.memory_space<vmem>>[vector<16xi32>, vector<16xi32>], vector<16xf32>,
      %gather3A_464 = tpu.vector_load_idx %arg14[%add3A_180, %broadcast_in_dim3A_462] : memref<512x32xf32, #tpu.memory_space<vmem>>[vector<16xi32>, vector<16xi32>], vector<16xf32>,
      %gather3A_465 = tpu.vector_load_idx %arg15[%add3A_180, %broadcast_in_dim3A_462] : memref<512x32xf32, #tpu.memory_space<vmem>>[vector<16xi32>, vector<16xi32>], vector<16xf32>,
      %mul3A_466 = arith.mulf %gather3A_463, %gather3A_464 : vector<16xf32>
      %add3A_467 = arith.addf %add3A_458, %mul3A_466 : vector<16xf32>
      %mul3A_468 = arith.mulf %gather3A_463, %gather3A_465 : vector<16xf32>
      %add3A_469 = arith.addf %add3A_460, %mul3A_468 : vector<16xf32>
      %swap3A = arith.index_cast %mul3A_178 : i32 to index
      %swap3A_470 = tpu.vector_load %arg18[%swap3A] {strides = array<i32>} : memref<512xf32, #tpu.memory_space<vmem>>, vector<16xf32>,
      tpu.vector_store %arg18[%swap3A], %add3A_467 {strides = array<i32>} : memref<512xf32, #tpu.memory_space<vmem>>, vector<16xf32>,
      %swap3A_471 = arith.index_cast %mul3A_178 : i32 to index
      %swap3A_472 = tpu.vector_load %arg19[%swap3A_471] {strides = array<i32>} : memref<512xf32, #tpu.memory_space<vmem>>, vector<16xf32>,
      tpu.vector_store %arg19[%swap3A_471], %add3A_469 {strides = array<i32>} : memref<512xf32, #tpu.memory_space<vmem>>, vector<16xf32>,
    }
    %scan3A_175 = arith.constant 32 : i32
    "tpu.region"() ({
      %run_scoped3A = tpu.sem_alloc : memref<!tpu.dma_semaphore, #tpu.memory_space<semaphore_mem>>
      %dma_start3A_176 = tpu.memref_slice %arg8[%mul3A_2] : memref<16384xf32, #tpu.memory_space<hbm>> -> memref<512xf32, #tpu.memory_space<hbm>>
      %dma_start3A_177 = tpu.memref_slice %arg8[%mul3A_2] : memref<16384xf32, #tpu.memory_space<hbm>> -> memref<512xf32, #tpu.memory_space<hbm>>
      tpu.enqueue_dma source(%arg18 : memref<512xf32, #tpu.memory_space<vmem>>) target(%dma_start3A_177 : memref<512xf32, #tpu.memory_space<hbm>>) target_semaphore(%run_scoped3A : memref<!tpu.dma_semaphore, #tpu.memory_space<semaphore_mem>>)
      %dma_wait3A_178 = tpu.memref_slice %arg8[%mul3A_2] : memref<16384xf32, #tpu.memory_space<hbm>> -> memref<512xf32, #tpu.memory_space<hbm>>
      %dma_wait3A_179 = tpu.memref_slice %arg8[%mul3A_2] : memref<16384xf32, #tpu.memory_space<hbm>> -> memref<512xf32, #tpu.memory_space<hbm>>
      tpu.wait_dma2 semaphore(%run_scoped3A : memref<!tpu.dma_semaphore, #tpu.memory_space<semaphore_mem>>) src(%arg18 : memref<512xf32, #tpu.memory_space<vmem>>) dst(%dma_wait3A_179 : memref<512xf32, #tpu.memory_space<hbm>>)
      tpu.yield
    }) : () -> ()
    "tpu.region"() ({
      %run_scoped3A = tpu.sem_alloc : memref<!tpu.dma_semaphore, #tpu.memory_space<semaphore_mem>>
      %dma_start3A_176 = tpu.memref_slice %arg9[%mul3A_2] : memref<16384xf32, #tpu.memory_space<hbm>> -> memref<512xf32, #tpu.memory_space<hbm>>
      %dma_start3A_177 = tpu.memref_slice %arg9[%mul3A_2] : memref<16384xf32, #tpu.memory_space<hbm>> -> memref<512xf32, #tpu.memory_space<hbm>>
      tpu.enqueue_dma source(%arg19 : memref<512xf32, #tpu.memory_space<vmem>>) target(%dma_start3A_177 : memref<512xf32, #tpu.memory_space<hbm>>) target_semaphore(%run_scoped3A : memref<!tpu.dma_semaphore, #tpu.memory_space<semaphore_mem>>)
      %dma_wait3A_178 = tpu.memref_slice %arg9[%mul3A_2] : memref<16384xf32, #tpu.memory_space<hbm>> -> memref<512xf32, #tpu.memory_space<hbm>>
      %dma_wait3A_179 = tpu.memref_slice %arg9[%mul3A_2] : memref<16384xf32, #tpu.memory_space<hbm>> -> memref<512xf32, #tpu.memory_space<hbm>>
      tpu.wait_dma2 semaphore(%run_scoped3A : memref<!tpu.dma_semaphore, #tpu.memory_space<semaphore_mem>>) src(%arg19 : memref<512xf32, #tpu.memory_space<vmem>>) dst(%dma_wait3A_179 : memref<512xf32, #tpu.memory_space<hbm>>)
      tpu.yield
    }) : () -> ()
    return
  }
}

</mosaic_0001>

<sc_bundles>
// kernel: _bprmf_sc.3.cloned.1.call-start
scs
__scs_entry_jumppad:
0x0: {  	(pc) =	sbr.rel $0x88, $3  }
0x1: {  	(tag) =	ssettag $0x0;
	lr =	simm.s32 $0x1  }
0x2: {  	[smem:$0x3F9B] =	sst lr;
	_ =	strace $0xD0000000  }
0x3: {  	_ = 	snop  }
0x4: {  	_ = 	snop  }
0x5: {  	_ = 	snop  }
0x6: {  	_ = 	snop  }
0x7: {  	_ = 	snop  }
__scs_overlays_trampoline_lowered:
0x8: {  	[smem:$0x3FAA] =	sst s0  }
0x9: {  	[smem:$0x3FAB] =	sst s1  }
0xa: {  	[smem:$0x3FAC] =	sst s2  }
0xb: {  	[smem:$0x3FAD] =	sst s3  }
0xc: {  	[smem:$0x3FAE] =	sst s4  }
0xd: {  	[smem:$0x3FAF] =	sst s5  }
0xe: {  	[smem:$0x3FB0] =	sst s6  }
0xf: {  	[smem:$0x3FB1] =	sst s7  }
0x10: {  	[smem:$0x3FB2] =	sst s8  }
0x11: {  	[smem:$0x3FB3] =	sst s9;
	s0 =	simm.s32 @!p0 $0x0  }
0x12: {  	s1 =	sld [smem:$0x3F99];
	s0 =	simm.s32 @p0 $0x1  }
0x13: {  	[smem:$0x3FB4] =	sst s0;
	s0 =	simm.s32 @!p1 $0x0  }
0x14: {  	s2 =	sld [smem:$0x3F98];
	s0 =	simm.s32 @p1 $0x1  }
0x15: {  	[smem:$0x3FB5] =	sst s0;
	s0 =	simm.s32 @!p2 $0x0  }
0x16: {  	s3 =	sld [smem:$0x3FDB];
	s0 =	simm.s32 @p2 $0x1  }
0x17: {  	s4 =	simm.s32 $0x1BF5;
	[smem:$0x3FB7] =	sst s0  }
0x18: {  	s0 =	sld [smem:$0x3F9A];
	_ =	swait.ge [sflag:s4], $0x0  }
0x19: {  	s7 =	sld [smem:$0x3F9B]  }
0x1a: {  	s8 =	sadd.s32 $0xFFFFE003, lr  }
0x1b: {  	s9 =	sadd.s32 $0xFFFFFEF7, lr;
	s5 =	simm.s32 $0xFFFFFFFF;
	p2 =	slt.u32 s8, $0xFFFFF086  }
0x1c: {  	p1 =	slt.u32 s9, $0xF7A;
	s5 =	simm.s32 @!p2 $0x0  }
0x1d: {  	s5 =	simm.s32 @p1 $0x1;
	p0 =	seq.s32 s7, s2  }
0x1e: {  	s7 =	smul.u32 @!p0 $0xF7A, s2;
	p2 =	seq.s32 @!p0 s5, $0x0  }
0x1f: {  	s9 =	smul.u32 $0xF7A, s1;
	s8 =	simm.s32 @!p0 $0x1BF5;
	p2 =	por !p2, p0  }
0x20: {  	[sflag:s8] =	ssyncset.s32 @!p0 $0xFFFFF086;
	s6 =	sadd.s32 @!p0 s3, s7;
	s7 =	simm.s32 @!p0 $0x108  }
0x21: {  	s3 =	sadd.s32 s3, s9;
	s6 =	sadd.s32 @!p0 $0x88, s6;
	s7 =	simm.s32 @p2 $0x1082  }
0x22: {  	[simem:s7], [sflag:s8] =	dma.local @!p0 [hbm:s6], $0xF7A  }
0x23: {  	s9 =	sor.u32 $0xD0000000, s2;
	s6 =	simm.s32 $0x108;
	_ =	swait.ge @!p0 [sflag:s8], $0x0  }
0x24: {  	s3 =	sadd.s32 $0x88, s3;
	s6 =	simm.s32 @!p1 $0x1082;
	[sflag:s4] =	ssyncset.s32 $0xFFFFF086  }
0x25: {  	[simem:s6], [sflag:s4] =	dma.local [hbm:s3], $0xF7A  }
0x26: {  	[smem:$0x3F9B] =	sst s1;
	(tag) =	ssettag s2;
	_ =	strace s9  }
0x27: {  	s1 =	sld [smem:$0x3FAB]  }
0x28: {  	s2 =	sld [smem:$0x3FAC]  }
0x29: {  	s4 =	sld [smem:$0x3FAE]  }
0x2a: {  	p0 =	seq.s32 s5, $0x0;
	s5 =	sld [smem:$0x3FAF]  }
0x2b: {  	s6 =	sld [smem:$0x3FB0]  }
0x2c: {  	s7 =	sld [smem:$0x3FB1]  }
0x2d: {  	s3 =	simm.s32 $0x108;
	s8 =	sld [smem:$0x3FB2]  }
0x2e: {  	s3 =	simm.s32 @!p0 $0x1082;
	s9 =	sld [smem:$0x3FB3]  }
0x2f: {  	lr =	sadd.s32 s0, s3;
	s0 =	sld [smem:$0x3FAA]  }
0x30: {  	s3 =	sld [smem:$0x3FAD]  }
0x31: {  	[smem:$0x3FB6] =	sst s10  }
0x32: {  	s10 =	sld [smem:$0x3FB4];
	_ =	sdelay $0x3  }
0x33: {  	p0 =	seq.s32 s10, $0x1;
	s10 =	sld [smem:$0x3FB6];
	_ =	sdelay $0x3  }
0x34: {  	[smem:$0x3FB6] =	sst s10  }
0x35: {  	s10 =	sld [smem:$0x3FB5];
	_ =	sdelay $0x3  }
0x36: {  	p1 =	seq.s32 s10, $0x1;
	s10 =	sld [smem:$0x3FB6];
	_ =	sdelay $0x3  }
0x37: {  	[smem:$0x3FB6] =	sst s10  }
0x38: {  	s10 =	sld [smem:$0x3FB7]  }
0x39: {  	_ = 	snop;
	(pc) =	sbr.ind lr, $3  }
0x3a: {  	_ = 	snop  }
0x3b: {  	_ = 	snop  }
0x3c: {  	p2 =	seq.s32 s10, $0x1;
	s10 =	sld [smem:$0x3FB6]  }
0x3d: {  	_ =	shalt  }
0x3e: {  	_ =	shalt  }
0x3f: {  	_ =	shalt  }
0x40: {  	_ =	shalt  }
0x41: {  	_ =	shalt  }
0x42: {  	_ =	shalt  }
0x43: {  	_ =	shalt  }
0x44: {  	_ =	shalt  }
0x45: {  	_ =	shalt  }
0x46: {  	_ =	shalt  }
0x47: {  	_ =	shalt  }
0x48: {  	_ =	shalt  }
0x49: {  	_ =	shalt  }
0x4a: {  	_ =	shalt  }
0x4b: {  	_ =	shalt  }
0x4c: {  	_ =	shalt  }
0x4d: {  	_ =	shalt  }
0x4e: {  	_ =	shalt  }
0x4f: {  	_ =	shalt  }
0x50: {  	_ =	shalt  }
0x51: {  	_ =	shalt  }
0x52: {  	_ =	shalt  }
0x53: {  	_ =	shalt  }
0x54: {  	_ =	shalt  }
0x55: {  	_ =	shalt  }
0x56: {  	_ =	shalt  }
0x57: {  	_ =	shalt  }
0x58: {  	_ =	shalt  }
0x59: {  	_ =	shalt  }
0x5a: {  	_ =	shalt  }
0x5b: {  	_ =	shalt  }
0x5c: {  	_ =	shalt  }
0x5d: {  	_ =	shalt  }
0x5e: {  	_ =	shalt  }
0x5f: {  	_ =	shalt  }
0x60: {  	_ =	shalt  }
0x61: {  	_ =	shalt  }
0x62: {  	_ =	shalt  }
0x63: {  	_ =	shalt  }
0x64: {  	_ =	shalt  }
0x65: {  	_ =	shalt  }
0x66: {  	_ =	shalt  }
0x67: {  	_ =	shalt  }
0x68: {  	_ =	shalt  }
0x69: {  	_ =	shalt  }
0x6a: {  	_ =	shalt  }
0x6b: {  	_ =	shalt  }
0x6c: {  	_ =	shalt  }
0x6d: {  	_ =	shalt  }
0x6e: {  	_ =	shalt  }
0x6f: {  	_ =	shalt  }
0x70: {  	_ =	shalt  }
0x71: {  	_ =	shalt  }
0x72: {  	_ =	shalt  }
0x73: {  	_ =	shalt  }
0x74: {  	_ =	shalt  }
0x75: {  	_ =	shalt  }
0x76: {  	_ =	shalt  }
0x77: {  	_ =	shalt  }
0x78: {  	_ =	shalt  }
0x79: {  	_ =	shalt  }
0x7a: {  	_ =	shalt  }
0x7b: {  	_ =	shalt  }
0x7c: {  	_ =	shalt  }
0x7d: {  	_ =	shalt  }
0x7e: {  	_ =	shalt  }
0x7f: {  	_ =	shalt  }
0x80: {  	_ =	shalt  }
0x81: {  	_ =	shalt  }
0x82: {  	_ =	shalt  }
0x83: {  	_ =	shalt  }
0x84: {  	_ =	shalt  }
0x85: {  	_ =	shalt  }
0x86: {  	_ =	shalt  }
0x87: {  	_ =	shalt  }
.Lfunc_end0:
.L_simem_size_0:
called_computation_lowered:
.L_overlay_start_0:
0x88: {  	s2 =	sld [smem:$0x3FD9]  }
0x89: {  	s3 =	sld [smem:$0x3FFE];
	_ =	sdelay $0x1  }
0x8a: {  	s1 =	srdreg.scid  }
0x8b: {  	s0 =	sand.u32 $0x1, s1  }
0x8c: {  	s14 =	sshll.u32 s0, $0xA;
	s2 =	sadd.s32 s3, s2  }
0x8d: {  	s2 =	sadd.s32 s2, s14  }
0x8e: {  	[smem:$0x3FC2] =	sst s2  }
0x8f: {  	_ = 	snop  }
0x90: {  	s2 =	sld [smem:$0x3FC9]  }
0x91: {  	s15 =	sld [smem:$0x3FD0]  }
0x92: {  	s4 =	sld [smem:$0x3FC8]  }
0x93: {  	s5 =	sld [smem:$0x3FC7]  }
0x94: {  	s7 =	simm.s32 $0xA;
	s8 =	simm.s32 $0x10;
	s6 =	sld [smem:$0x3FC4]  }
0x95: {  	[smem:s8], [sflag:s7] =	dma.local [hbm:s15], $0x1  }
0x96: {  	_ =	swait.eq [sflag:s7], $0x1  }
0x97: {  	[sflag:s7] =	ssyncset.done $0x0  }
0x98: {  	s16 =	sld [smem:$0x10];
	[sflag:s7] =	ssyncadd.s32 $0xFFFFFFFF  }
0x99: {  	s17 =	sld [smem:$0x11];
	(tm) =	ssettm $0x1  }
0x9a: {  	s18 =	sld [smem:$0x3FFB];
	_ =	sdelay $0x3  }
0x9b: {  	_ =	strace s18  }
0x9c: {  	s8 =	sld [smem:$0x3FFC];
	_ =	sdelay $0x3  }
0x9d: {  	_ =	strace s8  }
0x9e: {  	s8 =	sld [smem:$0x3FFD];
	_ =	sdelay $0x3  }
0x9f: {  	_ =	strace s8  }
0xa0: {  	_ =	strace $0x8FFFFFFF  }
0xa1: {  	s19 =	sld [smem:$0x3FDB];
	_ =	sdelay $0x1  }
0xa2: {  	s9 =	simm.s32 $_scs_section_size  }
0xa3: {  	s10 =	simm.s32 $_size__tile_overlayer_lowered;
	s11 =	simm.s32 $_tile_overlayer_lowered  }
0xa4: {  	s22 =	simm.s32 $0x1BFF;
	s21 =	sshll.u32 s11, $0x1;
	s8 =	sadd.s32 s9, s19  }
0xa5: {  	s12 =	simm.s32 $0x0;
	s20 =	sshll.u32 s10, $0x1;
	s10 =	sadd.s32 s21, s8  }
0xa6: {  	[timem:s12], [sflag:s22] =	dma.local [hbm:s10], s20  }
0xa7: {  	_ =	swait.ge [sflag:s22], s20  }
0xa8: {  	s9 =	ssub.s32 $0x0, s20;
	[sflag:s22] =	ssyncset.done $0x0  }
0xa9: {  	[sflag:s22] =	ssyncadd.s32 s9;
	_ =	sdelay $0x1  }
0xaa: {  	s23 =	simm.s32 $0x1B8B  }
0xab: {  	_ =	swait.ge [sflag:s23], $0x1  }
0xac: {  	[sflag:s23] =	ssyncset.done $0x0  }
0xad: {  	s25 =	simm.s32 $0x1B8E;
	s24 =	sld [smem:$0x3FFE];
	[sflag:s23] =	ssyncadd.s32 $0xFFFFFFFF  }
0xae: {  	s26 =	simm.s32 $execute0_lowered;
	[smem:$0x3FD2] =	sst s25  }
0xaf: {  	s10 =	sshll.u32 s26, $0x1;
	_ =	strace $0x80000046;
	[dreg:$0x1] =	wrdreg $0xFFFFFFFF  }
0xb0: {  	s28 =	simm.s32 $_size_execute0_lowered;
	s8 =	sadd.s32 s8, s10;
	[dreg:$0x0] =	wrdreg $0x0  }
0xb1: {  	s10 =	sshll.u32 s28, $0x1;
	[dreg:$0x2] =	wrdreg s8  }
0xb2: {  	[dreg:$0x3] =	wrdreg s10  }
0xb3: {  	[dreg:$0x4] =	wrdreg $0xC0  }
0xb4: {  	_ =	task [dreg:s12], $0x5FFFF  }
0xb5: {  	[dreg:$0x1] =	wrdreg $0xFFFFFFFF  }
0xb6: {  	[dreg:$0x0] =	wrdreg $0x60  }
0xb7: {  	[dreg:$0x2] =	wrdreg s2  }
0xb8: {  	[dreg:$0x3] =	wrdreg s4  }
0xb9: {  	[dreg:$0x4] =	wrdreg s5  }
0xba: {  	[dreg:$0x5] =	wrdreg s24  }
0xbb: {  	[dreg:$0x6] =	wrdreg s6  }
0xbc: {  	[dreg:$0x7] =	wrdreg s16  }
0xbd: {  	[dreg:$0x8] =	wrdreg s17  }
0xbe: {  	[dreg:$0x9] =	wrdreg $0x9  }
0xbf: {  	_ =	task.clear_ibuf [dreg:s12], $0xAFFFF;
	_ =	strace $0x90000046  }
0xc0: {  	s29 =	simm.s32 $0x9;
	_ =	strace $0x80000048  }
0xc1: {  	_ =	swait.ge [sflag:s29], $0x1  }
0xc2: {  	[sflag:s29] =	ssyncadd.s32 $0xFFFFFFFF  }
0xc3: {  	_ =	strace $0x90000048  }
0xc4: {  	_ =	sfence  }
0xc5: {  	s30 =	sld [smem:$0x0];
	_ =	sdelay $0x2  }
0xc6: {  	s31 =	sshll.u32 s1, $0xD;
	s1 =	sshrl.u32 s1, $0x2  }
0xc7: {  	s3 =	sand.u32 $0x4000, s31;
	s1 =	sadd.s32 s1, s30  }
0xc8: {  	s0 =	sor.u32 s3, s0;
	s1 =	sshll.u32 s1, $0x11  }
0xc9: {  	s0 =	sor.u32 s1, s0  }
0xca: {  	s0 =	sadd.s32 $0x8F2B, s0  }
0xcb: {  	[sflag:s0] =	ssyncadd.remote.s32 $0x1  }
0xcc: {  	_ =	sfence.sel $0xFFFF  }
0xcd: {  	[dreg:$0x0] =	wrdreg $0xFFFFFFFF;
	(pc) =	sbr.abs _section_cstart, $3  }
0xce: {  	[dreg:$0x1] =	wrdreg $0xFFFFFFFF  }
0xcf: {  	_ =	task.clear_ibuf [dreg:s12], $0x2FFFF;
	_ =	strace $0x9FFFFFFF  }
0xd0: {  	(tm) =	ssettm $0x7FFFFFFF  }
0xd1: {  	_ =	shalt  }
tec
execute0_lowered:
.L_overlay_start_1:
0x0: {  	(tag) =	ssettag $0x1  }
0x1: {  	s0 =	rddreg [dreg:$0x0]  }
0x2: {  	s2 =	rddreg [dreg:$0x1]  }
0x3: {  	s8 =	rddreg [dreg:$0x2]  }
0x4: {  	s5 =	rddreg [dreg:$0x3]  }
0x5: {  	s1 =	rddreg [dreg:$0x4]  }
0x6: {  	s9 =	rddreg [dreg:$0x5]  }
0x7: {  	s10 =	rddreg [dreg:$0x6]  }
0x8: {  	s3 =	simm.s32 $0x0;
	s4 =	srdreg.scid;
	s7 =	stileid.u32  }
0x9: {  	s13 =	simm.s32 $0x200;
	s14 =	simm.s32 $0x400;
	s15 =	simm.s32 $0x80  }
0xa: {  	s16 =	simm.s32 $0x600;
	s17 =	simm.s32 $0x4600;
	s18 =	simm.s32 $0x8600  }
0xb: {  	s22 =	simm.s32 $0x480;
	s29 =	simm.s32 $0x300;
	s31 =	simm.s32 $0x500  }
0xc: {  	s24 =	simm.s32 $0x380;
	s26 =	simm.s32 $0x580;
	s19 =	simm.s32 $0xCA00  }
0xd: {  	s21 =	simm.s32 $0xCC00;
	s23 =	simm.s32 $0x0;
	[smem:$0x7FF] =	sst s3  }
0xe: {  	s4 =	sand.u32 $0x1, s4;
	s7 =	sshll.u32 s7, $0x7;
	_ =	strace $0x80000047  }
0xf: {  	s6 =	ssub.s32 $0x2, s4;
	s11 =	sshll.u32 s4, $0x6;
	s4 =	sadd.s32 $0xF42C00, s5  }
0x10: {  	v0 =	vlaneseq.u32;
	s5 =	sadd.s32 $0x1313600, s5;
	s12 =	sshrl.u32 s6, $0x1;
	s11 =	sor.u32 s11, s7  }
0x11: {  	v0 =	vmul.u32 $0x20, v0;
	s12 =	ssub.s32 s6, s12;
	s6 =	sadd.s32 s0, s11;
	s7 =	sadd.s32 s2, s11  }
0x12: {  	s8 =	sadd.s32 s8, s11;
	s9 =	sadd.s32 s9, s11;
	s10 =	sadd.s32 s10, s11  }
0x13: {  	[tilespmem:$0x1FFF0] =	vst v0;
	s2 =	simm.s32 $0x1;
	s11 =	smax.u32 s12, $0x1;
	s12 =	simm.s32 $0x2  }
.LBB2_1:
0x14: {  	[tilespmem:s3], [sflag:$0x2] =	stream.linear.gather [hbm4b:s6+s3], $0x200, $0x38;
	[tilespmem:$0xCE00] =	vst v63  }
0x15: {  	_ =	swait.ge [sflag:s12], $0x200  }
0x16: {  	[sflag:s12] =	ssyncset.done $0x0  }
0x17: {  	[sflag:s12] =	ssyncadd.s32 $0xFFFFFE00  }
0x18: {  	[tilespmem:s13], [sflag:$0x2] =	stream.linear.gather [hbm4b:s7+s3], $0x200, $0x38;
	[tilespmem:$0xCE00] =	vst v63  }
0x19: {  	_ =	swait.ge [sflag:s12], $0x200  }
0x1a: {  	[sflag:s12] =	ssyncset.done $0x0  }
0x1b: {  	[sflag:s12] =	ssyncadd.s32 $0xFFFFFE00  }
0x1c: {  	[tilespmem:s14], [sflag:$0x2] =	stream.linear.gather [hbm4b:s8+s3], $0x200, $0x38;
	[tilespmem:$0xCE00] =	vst v63  }
0x1d: {  	_ =	swait.ge [sflag:s12], $0x200  }
0x1e: {  	[sflag:s12] =	ssyncset.done $0x0  }
0x1f: {  	[sflag:s12] =	ssyncadd.s32 $0xFFFFFE00  }
0x20: {  	[tilespmem:s16], [sflag:$0x1] =	stream.indirect.gather [hbm4b:s4+s15], $0x20, s3, s15, $0xb8;
	[tilespmem:$0xCE00] =	vst v63  }
0x21: {  	_ = 	snop  }
0x22: {  	[tilespmem:s17], [sflag:$0x1] =	stream.indirect.gather [hbm4b:s5+s15], $0x20, s13, s15, $0xb8;
	[tilespmem:$0xCE00] =	vst v63  }
0x23: {  	_ = 	snop  }
0x24: {  	[tilespmem:s18], [sflag:$0x1] =	stream.indirect.gather [hbm4b:s5+s15], $0x20, s14, s15, $0xb8;
	[tilespmem:$0xCE00] =	vst v63  }
0x25: {  	s28 =	simm.s32 $0xC600  }
0x26: {  	[tilespmem:s28], [sflag:$0x1] =	stream.indirect.gather [hbm4b:s1+s15], $0x1, s13, s15, $0xb8;
	[tilespmem:$0xCE00] =	vst v63  }
0x27: {  	s25 =	simm.s32 $0xC800  }
0x28: {  	[tilespmem:s25], [sflag:$0x1] =	stream.indirect.gather [hbm4b:s1+s15], $0x1, s14, s15, $0xb8;
	[tilespmem:$0xCE00] =	vst v63  }
0x29: {  	s0 =	simm.s32 $0x1600  }
0x2a: {  	[tilespmem:s0], [sflag:$0x1] =	stream.indirect.gather [hbm4b:s4+s15], $0x20, s15, s15, $0xb8;
	[tilespmem:$0xCE00] =	vst v63  }
0x2b: {  	s20 =	simm.s32 $0x5600;
	s0 =	simm.s32 $0x280  }
0x2c: {  	[tilespmem:s20], [sflag:$0x1] =	stream.indirect.gather [hbm4b:s5+s15], $0x20, s0, s15, $0xb8;
	[tilespmem:$0xCE00] =	vst v63  }
0x2d: {  	s20 =	simm.s32 $0x9600  }
0x2e: {  	[tilespmem:s20], [sflag:$0x1] =	stream.indirect.gather [hbm4b:s5+s15], $0x20, s22, s15, $0xb8;
	[tilespmem:$0xCE00] =	vst v63  }
0x2f: {  	s20 =	simm.s32 $0xC680  }
0x30: {  	[tilespmem:s20], [sflag:$0x1] =	stream.indirect.gather [hbm4b:s1+s15], $0x1, s0, s15, $0xb8;
	[tilespmem:$0xCE00] =	vst v63  }
0x31: {  	s20 =	simm.s32 $0xC880  }
0x32: {  	[tilespmem:s20], [sflag:$0x1] =	stream.indirect.gather [hbm4b:s1+s15], $0x1, s22, s15, $0xb8;
	[tilespmem:$0xCE00] =	vst v63  }
0x33: {  	s0 =	simm.s32 $0x100;
	s20 =	simm.s32 $0x2600  }
0x34: {  	[tilespmem:s20], [sflag:$0x1] =	stream.indirect.gather [hbm4b:s4+s15], $0x20, s0, s15, $0xb8;
	[tilespmem:$0xCE00] =	vst v63  }
0x35: {  	s20 =	simm.s32 $0x6600  }
0x36: {  	[tilespmem:s20], [sflag:$0x1] =	stream.indirect.gather [hbm4b:s5+s15], $0x20, s29, s15, $0xb8;
	[tilespmem:$0xCE00] =	vst v63  }
0x37: {  	s20 =	simm.s32 $0xA600  }
0x38: {  	[tilespmem:s20], [sflag:$0x1] =	stream.indirect.gather [hbm4b:s5+s15], $0x20, s31, s15, $0xb8;
	[tilespmem:$0xCE00] =	vst v63  }
0x39: {  	s20 =	simm.s32 $0xC700  }
0x3a: {  	[tilespmem:s20], [sflag:$0x1] =	stream.indirect.gather [hbm4b:s1+s15], $0x1, s29, s15, $0xb8;
	[tilespmem:$0xCE00] =	vst v63  }
0x3b: {  	s20 =	simm.s32 $0xC900  }
0x3c: {  	[tilespmem:s20], [sflag:$0x1] =	stream.indirect.gather [hbm4b:s1+s15], $0x1, s31, s15, $0xb8;
	[tilespmem:$0xCE00] =	vst v63  }
0x3d: {  	s0 =	simm.s32 $0x180;
	s20 =	simm.s32 $0x3600  }
0x3e: {  	[tilespmem:s20], [sflag:$0x1] =	stream.indirect.gather [hbm4b:s4+s15], $0x20, s0, s15, $0xb8;
	[tilespmem:$0xCE00] =	vst v63  }
0x3f: {  	s20 =	simm.s32 $0x7600  }
0x40: {  	[tilespmem:s20], [sflag:$0x1] =	stream.indirect.gather [hbm4b:s5+s15], $0x20, s24, s15, $0xb8;
	[tilespmem:$0xCE00] =	vst v63  }
0x41: {  	s20 =	simm.s32 $0xB600  }
0x42: {  	[tilespmem:s20], [sflag:$0x1] =	stream.indirect.gather [hbm4b:s5+s15], $0x20, s26, s15, $0xb8;
	[tilespmem:$0xCE00] =	vst v63  }
0x43: {  	s20 =	simm.s32 $0xC780  }
0x44: {  	[tilespmem:s20], [sflag:$0x1] =	stream.indirect.gather [hbm4b:s1+s15], $0x1, s24, s15, $0xb8;
	[tilespmem:$0xCE00] =	vst v63  }
0x45: {  	s20 =	simm.s32 $0xC980  }
0x46: {  	[tilespmem:s20], [sflag:$0x1] =	stream.indirect.gather [hbm4b:s1+s15], $0x1, s26, s15, $0xb8;
	[tilespmem:$0xCE00] =	vst v63  }
0x47: {  	_ =	swait.ge [sflag:s2], $0x4000  }
0x48: {  	[sflag:s2] =	ssyncset.done $0x0  }
0x49: {  	[sflag:s2] =	ssyncadd.s32 $0xFFFFC000  }
0x4a: {  	_ =	swait.ge [sflag:s2], $0x4000  }
0x4b: {  	[sflag:s2] =	ssyncset.done $0x0  }
0x4c: {  	[sflag:s2] =	ssyncadd.s32 $0xFFFFC000  }
0x4d: {  	_ =	swait.ge [sflag:s2], $0x4000  }
0x4e: {  	v1 =	vmov s3;
	[sflag:s2] =	ssyncset.done $0x0  }
0x4f: {  	v1 =	vshll.u32 v1, $0x5;
	[sflag:s2] =	ssyncadd.s32 $0xFFFFC000  }
0x50: {  	v32 =	vor.u32 v0, v1;
	_ =	swait.ge [sflag:s2], $0x200  }
0x51: {  	v7 =	vor.u32 $0x1F, v32;
	[sflag:s2] =	ssyncset.done $0x0  }
0x52: {  	v10 =	vor.u32 $0x1B, v32;
	[sflag:s2] =	ssyncadd.s32 $0xFFFFFE00  }
0x53: {  	v12 =	vor.u32 $0x1A, v32;
	_ =	swait.ge [sflag:s2], $0x200  }
0x54: {  	v14 =	vor.u32 $0x19, v32;
	[sflag:s2] =	ssyncset.done $0x0  }
0x55: {  	v16 =	vor.u32 $0x18, v32;
	[sflag:s2] =	ssyncadd.s32 $0xFFFFFE00  }
0x56: {  	v18 =	vor.u32 $0x17, v32;
	v1 =	vld.idx.msk [tilespmem:v7+s17+$0x0], $0xffff  }
0x57: {  	v20 =	vor.u32 $0x16, v32;
	v9 =	vld.idx.msk [tilespmem:v10+s17+$0x0], $0xffff  }
0x58: {  	v22 =	vor.u32 $0x15, v32;
	v11 =	vld.idx.msk [tilespmem:v12+s17+$0x0], $0xffff  }
0x59: {  	v24 =	vor.u32 $0x14, v32;
	v13 =	vld.idx.msk [tilespmem:v14+s17+$0x0], $0xffff  }
0x5a: {  	v26 =	vor.u32 $0x13, v32;
	v15 =	vld.idx.msk [tilespmem:v16+s17+$0x0], $0xffff  }
0x5b: {  	v28 =	vor.u32 $0x12, v32;
	v17 =	vld.idx.msk [tilespmem:v18+s17+$0x0], $0xffff  }
0x5c: {  	v30 =	vor.u32 $0x11, v32;
	v19 =	vld.idx.msk [tilespmem:v20+s17+$0x0], $0xffff  }
0x5d: {  	v35 =	vor.u32 $0xE, v32;
	v21 =	vld.idx.msk [tilespmem:v22+s17+$0x0], $0xffff  }
0x5e: {  	v40 =	vor.u32 $0x4, v32;
	v23 =	vld.idx.msk [tilespmem:v24+s17+$0x0], $0xffff  }
0x5f: {  	v42 =	vor.u32 $0x3, v32;
	v25 =	vld.idx.msk [tilespmem:v26+s17+$0x0], $0xffff  }
0x60: {  	v44 =	vor.u32 $0x2, v32;
	v27 =	vld.idx.msk [tilespmem:v28+s17+$0x0], $0xffff  }
0x61: {  	v46 =	vor.u32 $0x1, v32;
	v29 =	vld.idx.msk [tilespmem:v30+s17+$0x0], $0xffff  }
0x62: {  	v41 =	vld.idx.msk [tilespmem:v35+s17+$0x0], $0xffff  }
0x63: {  	v5 =	vor.u32 $0x1E, v32;
	v48 =	vld.idx.msk [tilespmem:v40+s17+$0x0], $0xffff  }
0x64: {  	v49 =	vld.idx.msk [tilespmem:v42+s17+$0x0], $0xffff  }
0x65: {  	v50 =	vld.idx.msk [tilespmem:v44+s17+$0x0], $0xffff  }
0x66: {  	v51 =	vld.idx.msk [tilespmem:v46+s18+$0x0], $0xffff  }
0x67: {  	v52 =	vld.idx.msk [tilespmem:v46+s17+$0x0], $0xffff  }
0x68: {  	v6 =	vor.u32 $0x1D, v32;
	[tilespmem:$0x1FF90] =	vst v1;
	v1 =	vld.idx.msk [tilespmem:v5+s17+$0x0], $0xffff  }
0x69: {  	v53 =	vld.idx.msk [tilespmem:v32+s17+$0x0], $0xffff  }
0x6a: {  	v54 =	vld.idx.msk [tilespmem:v32+s16+$0x0], $0xffff  }
0x6b: {  	v55 =	vld.idx.msk [tilespmem:v32+s18+$0x0], $0xffff  }
0x6c: {  	v46 =	vld.idx.msk [tilespmem:v46+s16+$0x0], $0xffff  }
0x6d: {  	v8 =	vor.u32 $0x1C, v32;
	[tilespmem:$0x1FF80] =	vst v1;
	v1 =	vld.idx.msk [tilespmem:v6+s17+$0x0], $0xffff  }
0x6e: {  	v56 =	vld [tilespmem:s28+$0x0]  }
0x6f: {  	v57 =	vld.idx.msk [tilespmem:v44+s16+$0x0], $0xffff  }
0x70: {  	v2 =	vld [tilespmem:s25+$0x0]  }
0x71: {  	v44 =	vld.idx.msk [tilespmem:v44+s18+$0x0], $0xffff  }
0x72: {  	v33 =	vor.u32 $0x10, v32;
	v34 =	vor.u32 $0xF, v32;
	v58 =	vor.u32 $0xA, v32;
	[tilespmem:$0x1FF70] =	vst v1;
	v1 =	vld.idx.msk [tilespmem:v8+s17+$0x0], $0xffff  }
0x73: {  	v60 =	vor.u32 $0x9, v32;
	v59 =	vld.idx.msk [tilespmem:v42+s16+$0x0], $0xffff;
	v53 =	vmul.f32 v53, v54;
	v54 =	vmul.f32 v55, v54  }
0x74: {  	v36 =	vor.u32 $0xD, v32;
	v61 =	vor.u32 $0x8, v32;
	v63 =	vor.u32 $0x7, v32;
	v42 =	vld.idx.msk [tilespmem:v42+s18+$0x0], $0xffff  }
0x75: {  	v62 =	vld.idx.msk [tilespmem:v40+s16+$0x0], $0xffff;
	v52 =	vmul.f32 v52, v46;
	v46 =	vmul.f32 v51, v46;
	v2 =	vadd.f32 v54, v2  }
0x76: {  	v37 =	vor.u32 $0xC, v32;
	v38 =	vor.u32 $0xB, v32;
	v40 =	vld.idx.msk [tilespmem:v40+s18+$0x0], $0xffff;
	v44 =	vmul.f32 v44, v57  }
0x77: {  	v4 =	vld.idx.msk [tilespmem:v58+s17+$0x0], $0xffff;
	v2 =	vadd.f32 v46, v2;
	[tilespmem:$0x1FF60] =	vst v1;
	v1 =	vor.u32 $0x6, v32;
	v32 =	vor.u32 $0x5, v32  }
0x78: {  	v3 =	vld.idx.msk [tilespmem:v60+s17+$0x0], $0xffff  }
0x79: {  	v55 =	vld.idx.msk [tilespmem:v61+s17+$0x0], $0xffff;
	v42 =	vmul.f32 v42, v59;
	v2 =	vadd.f32 v44, v2  }
0x7a: {  	v53 =	vadd.f32 v53, v56;
	v56 =	vld.idx.msk [tilespmem:v63+s17+$0x0], $0xffff  }
0x7b: {  	v2 =	vadd.f32 v42, v2;
	v42 =	vld.idx.msk [tilespmem:v63+s16+$0x0], $0xffff  }
0x7c: {  	v50 =	vmul.f32 v50, v57;
	v52 =	vadd.f32 v52, v53;
	v53 =	vld.idx.msk [tilespmem:v32+s17+$0x0], $0xffff  }
0x7d: {  	v57 =	vld.idx.msk [tilespmem:v32+s16+$0x0], $0xffff  }
0x7e: {  	v49 =	vmul.f32 v49, v59;
	v50 =	vadd.f32 v50, v52;
	v51 =	vld.idx.msk [tilespmem:v1+s17+$0x0], $0xffff  }
0x7f: {  	v59 =	vld.idx.msk [tilespmem:v1+s16+$0x0], $0xffff  }
0x80: {  	v48 =	vmul.f32 v48, v62;
	v49 =	vadd.f32 v49, v50;
	v32 =	vld.idx.msk [tilespmem:v32+s18+$0x0], $0xffff  }
0x81: {  	v1 =	vld.idx.msk [tilespmem:v1+s18+$0x0], $0xffff  }
0x82: {  	v40 =	vmul.f32 v40, v62;
	v62 =	vld.idx.msk [tilespmem:v63+s18+$0x0], $0xffff;
	v48 =	vadd.f32 v48, v49;
	v63 =	vmul.f32 v53, v57  }
0x83: {  	v52 =	vld.idx.msk [tilespmem:v61+s16+$0x0], $0xffff  }
0x84: {  	v2 =	vadd.f32 v40, v2;
	v40 =	vld.idx.msk [tilespmem:v61+s18+$0x0], $0xffff;
	v54 =	vmul.f32 v51, v59;
	v53 =	vadd.f32 v63, v48  }
0x85: {  	v49 =	vld.idx.msk [tilespmem:v60+s16+$0x0], $0xffff;
	v32 =	vmul.f32 v32, v57  }
0x86: {  	v1 =	vmul.f32 v1, v59;
	v57 =	vld.idx.msk [tilespmem:v60+s18+$0x0], $0xffff;
	v60 =	vmul.f32 v56, v42;
	v59 =	vadd.f32 v54, v53  }
0x87: {  	v61 =	vld.idx.msk [tilespmem:v58+s16+$0x0], $0xffff;
	v2 =	vadd.f32 v32, v2  }
0x88: {  	v47 =	vld.idx.msk [tilespmem:v38+s17+$0x0], $0xffff;
	v63 =	vmul.f32 v55, v52;
	v44 =	vadd.f32 v60, v59  }
0x89: {  	v1 =	vadd.f32 v1, v2;
	v2 =	vmul.f32 v62, v42;
	v53 =	vld.idx.msk [tilespmem:v38+s16+$0x0], $0xffff  }
0x8a: {  	v45 =	vld.idx.msk [tilespmem:v37+s17+$0x0], $0xffff;
	v3 =	vmul.f32 v3, v49;
	v54 =	vadd.f32 v63, v44  }
0x8b: {  	v55 =	vld.idx.msk [tilespmem:v37+s16+$0x0], $0xffff;
	v1 =	vadd.f32 v2, v1;
	v2 =	vmul.f32 v40, v52  }
0x8c: {  	v43 =	vld.idx.msk [tilespmem:v36+s17+$0x0], $0xffff;
	v4 =	vmul.f32 v4, v61;
	v3 =	vadd.f32 v3, v54  }
0x8d: {  	v1 =	vadd.f32 v2, v1;
	v2 =	vmul.f32 v57, v49;
	v57 =	vld.idx.msk [tilespmem:v36+s16+$0x0], $0xffff  }
0x8e: {  	v62 =	vld.idx.msk [tilespmem:v58+s18+$0x0], $0xffff;
	v3 =	vadd.f32 v4, v3;
	v4 =	vmul.f32 v47, v53  }
0x8f: {  	v58 =	vld.idx.msk [tilespmem:v35+s16+$0x0], $0xffff  }
0x90: {  	v39 =	vld.idx.msk [tilespmem:v34+s17+$0x0], $0xffff;
	v3 =	vadd.f32 v4, v3;
	v4 =	vmul.f32 v45, v55  }
0x91: {  	v59 =	vld.idx.msk [tilespmem:v34+s16+$0x0], $0xffff  }
0x92: {  	v31 =	vld.idx.msk [tilespmem:v33+s17+$0x0], $0xffff;
	v3 =	vadd.f32 v4, v3;
	v4 =	vmul.f32 v43, v57  }
0x93: {  	v1 =	vadd.f32 v2, v1;
	v2 =	vmul.f32 v62, v61;
	v61 =	vld.idx.msk [tilespmem:v33+s16+$0x0], $0xffff  }
0x94: {  	v38 =	vld.idx.msk [tilespmem:v38+s18+$0x0], $0xffff;
	v3 =	vadd.f32 v4, v3;
	v4 =	vmul.f32 v41, v58  }
0x95: {  	v62 =	vld.idx.msk [tilespmem:v30+s16+$0x0], $0xffff  }
0x96: {  	v56 =	vld.idx.msk [tilespmem:v37+s18+$0x0], $0xffff;
	v3 =	vadd.f32 v4, v3;
	v4 =	vmul.f32 v39, v59  }
0x97: {  	v63 =	vld.idx.msk [tilespmem:v28+s16+$0x0], $0xffff  }
0x98: {  	v36 =	vld.idx.msk [tilespmem:v36+s18+$0x0], $0xffff;
	v3 =	vadd.f32 v4, v3;
	v4 =	vmul.f32 v31, v61  }
0x99: {  	v1 =	vadd.f32 v2, v1;
	v2 =	vmul.f32 v38, v53;
	v31 =	vld.idx.msk [tilespmem:v26+s16+$0x0], $0xffff  }
0x9a: {  	v35 =	vld.idx.msk [tilespmem:v35+s18+$0x0], $0xffff;
	v3 =	vadd.f32 v4, v3;
	v4 =	vmul.f32 v29, v62  }
0x9b: {  	v1 =	vadd.f32 v2, v1;
	v2 =	vmul.f32 v56, v55;
	v29 =	vld.idx.msk [tilespmem:v24+s16+$0x0], $0xffff  }
0x9c: {  	v60 =	vld.idx.msk [tilespmem:v34+s18+$0x0], $0xffff;
	v3 =	vadd.f32 v4, v3;
	v4 =	vmul.f32 v27, v63  }
0x9d: {  	v1 =	vadd.f32 v2, v1;
	v2 =	vmul.f32 v36, v57;
	v27 =	vld.idx.msk [tilespmem:v22+s16+$0x0], $0xffff  }
0x9e: {  	v33 =	vld.idx.msk [tilespmem:v33+s18+$0x0], $0xffff;
	v3 =	vadd.f32 v4, v3;
	v4 =	vmul.f32 v25, v31  }
0x9f: {  	v1 =	vadd.f32 v2, v1;
	v2 =	vmul.f32 v35, v58;
	v25 =	vld.idx.msk [tilespmem:v20+s16+$0x0], $0xffff  }
0xa0: {  	v30 =	vld.idx.msk [tilespmem:v30+s18+$0x0], $0xffff;
	v3 =	vadd.f32 v4, v3;
	v4 =	vmul.f32 v23, v29  }
0xa1: {  	v1 =	vadd.f32 v2, v1;
	v2 =	vmul.f32 v60, v59;
	v23 =	vld.idx.msk [tilespmem:v18+s16+$0x0], $0xffff  }
0xa2: {  	v28 =	vld.idx.msk [tilespmem:v28+s18+$0x0], $0xffff;
	v3 =	vadd.f32 v4, v3;
	v4 =	vmul.f32 v21, v27  }
0xa3: {  	v1 =	vadd.f32 v2, v1;
	v2 =	vmul.f32 v33, v61;
	v21 =	vld.idx.msk [tilespmem:v16+s16+$0x0], $0xffff  }
0xa4: {  	v26 =	vld.idx.msk [tilespmem:v26+s18+$0x0], $0xffff;
	v3 =	vadd.f32 v4, v3;
	v4 =	vmul.f32 v19, v25  }
0xa5: {  	v1 =	vadd.f32 v2, v1;
	v2 =	vmul.f32 v30, v62;
	v19 =	vld.idx.msk [tilespmem:v14+s16+$0x0], $0xffff  }
0xa6: {  	v24 =	vld.idx.msk [tilespmem:v24+s18+$0x0], $0xffff;
	v3 =	vadd.f32 v4, v3;
	v4 =	vmul.f32 v17, v23  }
0xa7: {  	v1 =	vadd.f32 v2, v1;
	v2 =	vmul.f32 v28, v63;
	v17 =	vld.idx.msk [tilespmem:v12+s16+$0x0], $0xffff  }
0xa8: {  	v22 =	vld.idx.msk [tilespmem:v22+s18+$0x0], $0xffff;
	v3 =	vadd.f32 v4, v3;
	v4 =	vmul.f32 v15, v21  }
0xa9: {  	v1 =	vadd.f32 v2, v1;
	v2 =	vmul.f32 v26, v31;
	v15 =	vld.idx.msk [tilespmem:v10+s16+$0x0], $0xffff  }
0xaa: {  	v20 =	vld.idx.msk [tilespmem:v20+s18+$0x0], $0xffff;
	v3 =	vadd.f32 v4, v3;
	v4 =	vmul.f32 v13, v19  }
0xab: {  	v1 =	vadd.f32 v2, v1;
	v2 =	vmul.f32 v24, v29  }
0xac: {  	v18 =	vld.idx.msk [tilespmem:v18+s18+$0x0], $0xffff;
	v3 =	vadd.f32 v4, v3;
	v4 =	vmul.f32 v11, v17  }
0xad: {  	v1 =	vadd.f32 v2, v1;
	v2 =	vmul.f32 v22, v27;
	v16 =	vld.idx.msk [tilespmem:v16+s18+$0x0], $0xffff  }
0xae: {  	v14 =	vld.idx.msk [tilespmem:v14+s18+$0x0], $0xffff;
	v3 =	vadd.f32 v4, v3;
	v4 =	vmul.f32 v9, v15  }
0xaf: {  	v1 =	vadd.f32 v2, v1;
	v2 =	vmul.f32 v20, v25;
	v13 =	vld.idx.msk [tilespmem:v8+s16+$0x0], $0xffff  }
0xb0: {  	v3 =	vadd.f32 v4, v3;
	v4 =	vld [tilespmem:$0x1FF60]  }
0xb1: {  	v1 =	vadd.f32 v2, v1;
	v2 =	vmul.f32 v18, v23  }
0xb2: {  	v12 =	vld.idx.msk [tilespmem:v12+s18+$0x0], $0xffff  }
0xb3: {  	v1 =	vadd.f32 v2, v1;
	v2 =	vmul.f32 v16, v21  }
0xb4: {  	v10 =	vld.idx.msk [tilespmem:v10+s18+$0x0], $0xffff  }
0xb5: {  	v1 =	vadd.f32 v2, v1;
	v2 =	vmul.f32 v14, v19;
	v8 =	vld.idx.msk [tilespmem:v8+s18+$0x0], $0xffff;
	v4 =	vmul.f32 v4, v13  }
0xb6: {  	v11 =	vld.idx.msk [tilespmem:v6+s16+$0x0], $0xffff  }
0xb7: {  	v1 =	vadd.f32 v2, v1;
	v2 =	vmul.f32 v12, v17;
	v3 =	vadd.f32 v4, v3;
	v4 =	vld [tilespmem:$0x1FF70];
	_ =	sdelay $0x1  }
0xb8: {  	v6 =	vld.idx.msk [tilespmem:v6+s18+$0x0], $0xffff;
	v1 =	vadd.f32 v2, v1;
	v2 =	vmul.f32 v10, v15;
	_ =	sdelay $0x1  }
0xb9: {  	v1 =	vadd.f32 v2, v1;
	v2 =	vmul.f32 v8, v13  }
0xba: {  	v9 =	vld.idx.msk [tilespmem:v5+s16+$0x0], $0xffff;
	v4 =	vmul.f32 v4, v11  }
0xbb: {  	s20 =	simm.s32 $0x10;
	v5 =	vld.idx.msk [tilespmem:v5+s18+$0x0], $0xffff;
	v1 =	vadd.f32 v2, v1  }
0xbc: {  	v2 =	vmul.f32 v6, v11;
	v6 =	vmov s20;
	v3 =	vadd.f32 v4, v3;
	v4 =	vld [tilespmem:$0x1FF80]  }
0xbd: {  	v10 =	vld.idx.msk [tilespmem:v7+s16+$0x0], $0xffff;
	v6 =	vshll.u32 v6, $0x5  }
0xbe: {  	v45 =	vor.u32 v0, v6;
	v0 =	vld [tilespmem:$0x1FF90]  }
0xbf: {  	v7 =	vld.idx.msk [tilespmem:v7+s18+$0x0], $0xffff;
	_ =	sdelay $0x1  }
0xc0: {  	v4 =	vmul.f32 v4, v9  }
0xc1: {  	v5 =	vmul.f32 v5, v9;
	v2 =	vadd.f32 v2, v1  }
0xc2: {  	v6 =	vmul.f32 v0, v10;
	v4 =	vadd.f32 v4, v3  }
0xc3: {  	v1 =	vor.u32 $0x1F, v45;
	v2 =	vadd.f32 v5, v2;
	v5 =	vmul.f32 v7, v10  }
0xc4: {  	v3 =	vor.u32 $0x1E, v45;
	v4 =	vadd.f32 v6, v4  }
0xc5: {  	v14 =	vor.u32 $0x19, v45;
	v2 =	vadd.f32 v5, v2  }
0xc6: {  	v16 =	vor.u32 $0x18, v45;
	[tilespmem:s19+$0x0] =	vst v4  }
0xc7: {  	v18 =	vor.u32 $0x17, v45;
	[tilespmem:s21+$0x0] =	vst v2  }
0xc8: {  	v20 =	vor.u32 $0x16, v45;
	v63 =	vld.idx.msk [tilespmem:v1+s17+$0x0], $0xffff  }
0xc9: {  	v22 =	vor.u32 $0x15, v45;
	v2 =	vld.idx.msk [tilespmem:v3+s17+$0x0], $0xffff  }
0xca: {  	v24 =	vor.u32 $0x14, v45;
	v13 =	vld.idx.msk [tilespmem:v14+s17+$0x0], $0xffff  }
0xcb: {  	v6 =	vor.u32 $0x1D, v45;
	v15 =	vld.idx.msk [tilespmem:v16+s17+$0x0], $0xffff  }
0xcc: {  	v26 =	vor.u32 $0x13, v45;
	v17 =	vld.idx.msk [tilespmem:v18+s17+$0x0], $0xffff  }
0xcd: {  	v28 =	vor.u32 $0x12, v45;
	v19 =	vld.idx.msk [tilespmem:v20+s17+$0x0], $0xffff  }
0xce: {  	v30 =	vor.u32 $0x11, v45;
	v21 =	vld.idx.msk [tilespmem:v22+s17+$0x0], $0xffff  }
0xcf: {  	v32 =	vor.u32 $0x10, v45;
	v23 =	vld.idx.msk [tilespmem:v24+s17+$0x0], $0xffff  }
0xd0: {  	v8 =	vor.u32 $0x1C, v45;
	v0 =	vld.idx.msk [tilespmem:v6+s17+$0x0], $0xffff  }
0xd1: {  	v34 =	vor.u32 $0xF, v45;
	v25 =	vld.idx.msk [tilespmem:v26+s17+$0x0], $0xffff  }
0xd2: {  	v36 =	vor.u32 $0xE, v45;
	v27 =	vld.idx.msk [tilespmem:v28+s17+$0x0], $0xffff  }
0xd3: {  	v38 =	vor.u32 $0xD, v45;
	v29 =	vld.idx.msk [tilespmem:v30+s17+$0x0], $0xffff  }
0xd4: {  	v40 =	vor.u32 $0xC, v45;
	v31 =	vld.idx.msk [tilespmem:v32+s17+$0x0], $0xffff  }
0xd5: {  	v10 =	vor.u32 $0x1B, v45;
	[tilespmem:$0x1FFB0] =	vst v0;
	v0 =	vld.idx.msk [tilespmem:v8+s17+$0x0], $0xffff  }
0xd6: {  	v42 =	vor.u32 $0xB, v45;
	v33 =	vld.idx.msk [tilespmem:v34+s17+$0x0], $0xffff  }
0xd7: {  	v44 =	vor.u32 $0xA, v45;
	v35 =	vld.idx.msk [tilespmem:v36+s17+$0x0], $0xffff  }
0xd8: {  	v47 =	vor.u32 $0x9, v45;
	v37 =	vld.idx.msk [tilespmem:v38+s17+$0x0], $0xffff  }
0xd9: {  	v49 =	vor.u32 $0x8, v45;
	v39 =	vld.idx.msk [tilespmem:v40+s17+$0x0], $0xffff  }
0xda: {  	v12 =	vor.u32 $0x1A, v45;
	[tilespmem:$0x1FFC0] =	vst v0;
	v0 =	vld.idx.msk [tilespmem:v10+s17+$0x0], $0xffff  }
0xdb: {  	v51 =	vor.u32 $0x7, v45;
	v41 =	vld.idx.msk [tilespmem:v42+s17+$0x0], $0xffff  }
0xdc: {  	v53 =	vor.u32 $0x6, v45;
	v43 =	vld.idx.msk [tilespmem:v44+s17+$0x0], $0xffff  }
0xdd: {  	v55 =	vor.u32 $0x5, v45;
	v46 =	vld.idx.msk [tilespmem:v47+s17+$0x0], $0xffff  }
0xde: {  	v57 =	vor.u32 $0x4, v45;
	v48 =	vld.idx.msk [tilespmem:v49+s17+$0x0], $0xffff  }
0xdf: {  	v59 =	vor.u32 $0x3, v45;
	[tilespmem:$0x1FFD0] =	vst v0;
	v0 =	vld.idx.msk [tilespmem:v12+s17+$0x0], $0xffff  }
0xe0: {  	v50 =	vld.idx.msk [tilespmem:v51+s17+$0x0], $0xffff  }
0xe1: {  	v52 =	vld.idx.msk [tilespmem:v53+s17+$0x0], $0xffff  }
0xe2: {  	v54 =	vld.idx.msk [tilespmem:v55+s17+$0x0], $0xffff  }
0xe3: {  	v56 =	vld.idx.msk [tilespmem:v57+s17+$0x0], $0xffff;
	[tilespmem:$0x1FFA0] =	vst v2  }
0xe4: {  	s30 =	simm.s32 $0xCC00;
	s0 =	simm.s32 $0xCA00;
	s20 =	simm.s32 $0x20;
	v60 =	vor.u32 $0x2, v45;
	v61 =	vor.u32 $0x1, v45;
	v58 =	vld.idx.msk [tilespmem:v59+s17+$0x0], $0xffff;
	[tilespmem:$0x1FFE0] =	vst v0  }
.LBB2_2:
0xe5: {  	_ =	sdelay $0x3  }
0xe6: {  	v62 =	vld.idx.msk [tilespmem:v60+s17+$0x0], $0xffff  }
0xe7: {  	v0 =	vld.idx.msk [tilespmem:v61+s18+$0x0], $0xffff  }
0xe8: {  	v2 =	vld.idx.msk [tilespmem:v61+s17+$0x0], $0xffff  }
0xe9: {  	v4 =	vld.idx.msk [tilespmem:v45+s17+$0x0], $0xffff  }
0xea: {  	v5 =	vld.idx.msk [tilespmem:v45+s16+$0x0], $0xffff  }
0xeb: {  	v45 =	vld.idx.msk [tilespmem:v45+s18+$0x0], $0xffff  }
0xec: {  	v61 =	vld.idx.msk [tilespmem:v61+s16+$0x0], $0xffff;
	s28 =	sadd.s32 $0x10, s28  }
0xed: {  	s25 =	sadd.s32 $0x10, s25;
	v7 =	vld [tilespmem:s28+$0x0]  }
0xee: {  	[tilespmem:$0x1FF50] =	vst v63;
	v63 =	vld [tilespmem:s25+$0x0]  }
0xef: {  	v9 =	vld.idx.msk [tilespmem:v60+s16+$0x0], $0xffff  }
0xf0: {  	v60 =	vld.idx.msk [tilespmem:v60+s18+$0x0], $0xffff;
	v4 =	vmul.f32 v4, v5  }
0xf1: {  	v11 =	vld.idx.msk [tilespmem:v59+s16+$0x0], $0xffff;
	v5 =	vmul.f32 v45, v5  }
0xf2: {  	v45 =	vld.idx.msk [tilespmem:v59+s18+$0x0], $0xffff;
	v2 =	vmul.f32 v2, v61;
	v4 =	vadd.f32 v4, v7  }
0xf3: {  	v0 =	vmul.f32 v0, v61;
	v7 =	vld.idx.msk [tilespmem:v57+s16+$0x0], $0xffff;
	v5 =	vadd.f32 v5, v63  }
0xf4: {  	v63 =	vld.idx.msk [tilespmem:v57+s18+$0x0], $0xffff;
	v2 =	vadd.f32 v2, v4;
	v4 =	vmul.f32 v62, v9  }
0xf5: {  	v59 =	vld.idx.msk [tilespmem:v55+s16+$0x0], $0xffff;
	v0 =	vadd.f32 v0, v5;
	v5 =	vmul.f32 v60, v9  }
0xf6: {  	v9 =	vld.idx.msk [tilespmem:v55+s18+$0x0], $0xffff;
	v2 =	vadd.f32 v4, v2;
	v4 =	vmul.f32 v58, v11  }
0xf7: {  	v61 =	vld.idx.msk [tilespmem:v53+s16+$0x0], $0xffff;
	v0 =	vadd.f32 v5, v0;
	v5 =	vmul.f32 v45, v11  }
0xf8: {  	v11 =	vld.idx.msk [tilespmem:v53+s18+$0x0], $0xffff;
	v2 =	vadd.f32 v4, v2;
	v4 =	vmul.f32 v56, v7  }
0xf9: {  	v62 =	vld.idx.msk [tilespmem:v51+s16+$0x0], $0xffff;
	v0 =	vadd.f32 v5, v0;
	v5 =	vmul.f32 v63, v7  }
0xfa: {  	v7 =	vld.idx.msk [tilespmem:v51+s18+$0x0], $0xffff;
	v2 =	vadd.f32 v4, v2;
	v4 =	vmul.f32 v54, v59  }
0xfb: {  	v63 =	vld.idx.msk [tilespmem:v49+s16+$0x0], $0xffff;
	v0 =	vadd.f32 v5, v0;
	v5 =	vmul.f32 v9, v59  }
0xfc: {  	v9 =	vld.idx.msk [tilespmem:v49+s18+$0x0], $0xffff;
	v2 =	vadd.f32 v4, v2;
	v4 =	vmul.f32 v52, v61  }
0xfd: {  	v54 =	vld.idx.msk [tilespmem:v47+s16+$0x0], $0xffff;
	v0 =	vadd.f32 v5, v0;
	v5 =	vmul.f32 v11, v61  }
0xfe: {  	v11 =	vld.idx.msk [tilespmem:v47+s18+$0x0], $0xffff;
	v2 =	vadd.f32 v4, v2;
	v4 =	vmul.f32 v50, v62  }
0xff: {  	v56 =	vld.idx.msk [tilespmem:v44+s16+$0x0], $0xffff;
	v0 =	vadd.f32 v5, v0;
	v5 =	vmul.f32 v7, v62  }
0x100: {  	v7 =	vld.idx.msk [tilespmem:v44+s18+$0x0], $0xffff;
	v2 =	vadd.f32 v4, v2;
	v4 =	vmul.f32 v48, v63  }
0x101: {  	v57 =	vld.idx.msk [tilespmem:v42+s16+$0x0], $0xffff;
	v0 =	vadd.f32 v5, v0;
	v5 =	vmul.f32 v9, v63  }
0x102: {  	v9 =	vld.idx.msk [tilespmem:v42+s18+$0x0], $0xffff;
	v2 =	vadd.f32 v4, v2;
	v4 =	vmul.f32 v46, v54  }
0x103: {  	v58 =	vld.idx.msk [tilespmem:v40+s16+$0x0], $0xffff;
	v0 =	vadd.f32 v5, v0;
	v5 =	vmul.f32 v11, v54  }
0x104: {  	v11 =	vld.idx.msk [tilespmem:v40+s18+$0x0], $0xffff;
	v2 =	vadd.f32 v4, v2;
	v4 =	vmul.f32 v43, v56  }
0x105: {  	v59 =	vld.idx.msk [tilespmem:v38+s16+$0x0], $0xffff;
	v0 =	vadd.f32 v5, v0;
	v5 =	vmul.f32 v7, v56  }
0x106: {  	v7 =	vld.idx.msk [tilespmem:v38+s18+$0x0], $0xffff;
	v2 =	vadd.f32 v4, v2;
	v4 =	vmul.f32 v41, v57  }
0x107: {  	v60 =	vld.idx.msk [tilespmem:v36+s16+$0x0], $0xffff;
	v0 =	vadd.f32 v5, v0;
	v5 =	vmul.f32 v9, v57  }
0x108: {  	v9 =	vld.idx.msk [tilespmem:v36+s18+$0x0], $0xffff;
	v2 =	vadd.f32 v4, v2;
	v4 =	vmul.f32 v39, v58  }
0x109: {  	v61 =	vld.idx.msk [tilespmem:v34+s16+$0x0], $0xffff;
	v0 =	vadd.f32 v5, v0;
	v5 =	vmul.f32 v11, v58  }
0x10a: {  	v11 =	vld.idx.msk [tilespmem:v34+s18+$0x0], $0xffff;
	v2 =	vadd.f32 v4, v2;
	v4 =	vmul.f32 v37, v59  }
0x10b: {  	v62 =	vld.idx.msk [tilespmem:v32+s16+$0x0], $0xffff;
	v0 =	vadd.f32 v5, v0;
	v5 =	vmul.f32 v7, v59  }
0x10c: {  	v7 =	vld.idx.msk [tilespmem:v32+s18+$0x0], $0xffff;
	v2 =	vadd.f32 v4, v2;
	v4 =	vmul.f32 v35, v60  }
0x10d: {  	v63 =	vld.idx.msk [tilespmem:v30+s16+$0x0], $0xffff;
	v0 =	vadd.f32 v5, v0;
	v5 =	vmul.f32 v9, v60  }
0x10e: {  	v9 =	vld.idx.msk [tilespmem:v30+s18+$0x0], $0xffff;
	v2 =	vadd.f32 v4, v2;
	v4 =	vmul.f32 v33, v61  }
0x10f: {  	v30 =	vld.idx.msk [tilespmem:v28+s16+$0x0], $0xffff;
	v0 =	vadd.f32 v5, v0;
	v5 =	vmul.f32 v11, v61  }
0x110: {  	v11 =	vld.idx.msk [tilespmem:v28+s18+$0x0], $0xffff;
	v2 =	vadd.f32 v4, v2;
	v4 =	vmul.f32 v31, v62  }
0x111: {  	v28 =	vld.idx.msk [tilespmem:v26+s16+$0x0], $0xffff;
	v0 =	vadd.f32 v5, v0;
	v5 =	vmul.f32 v7, v62  }
0x112: {  	v7 =	vld.idx.msk [tilespmem:v26+s18+$0x0], $0xffff;
	v2 =	vadd.f32 v4, v2;
	v4 =	vmul.f32 v29, v63  }
0x113: {  	v26 =	vld.idx.msk [tilespmem:v24+s16+$0x0], $0xffff;
	v0 =	vadd.f32 v5, v0;
	v5 =	vmul.f32 v9, v63  }
0x114: {  	v9 =	vld.idx.msk [tilespmem:v24+s18+$0x0], $0xffff;
	v2 =	vadd.f32 v4, v2;
	v4 =	vmul.f32 v27, v30  }
0x115: {  	v24 =	vld.idx.msk [tilespmem:v22+s16+$0x0], $0xffff;
	v0 =	vadd.f32 v5, v0;
	v5 =	vmul.f32 v11, v30  }
0x116: {  	v11 =	vld.idx.msk [tilespmem:v22+s18+$0x0], $0xffff;
	v2 =	vadd.f32 v4, v2;
	v4 =	vmul.f32 v25, v28  }
0x117: {  	v22 =	vld.idx.msk [tilespmem:v20+s16+$0x0], $0xffff;
	v0 =	vadd.f32 v5, v0;
	v5 =	vmul.f32 v7, v28  }
0x118: {  	v7 =	vld.idx.msk [tilespmem:v20+s18+$0x0], $0xffff;
	v2 =	vadd.f32 v4, v2;
	v4 =	vmul.f32 v23, v26  }
0x119: {  	v20 =	vld.idx.msk [tilespmem:v18+s16+$0x0], $0xffff;
	v0 =	vadd.f32 v5, v0;
	v5 =	vmul.f32 v9, v26  }
0x11a: {  	v9 =	vld.idx.msk [tilespmem:v18+s18+$0x0], $0xffff;
	v2 =	vadd.f32 v4, v2;
	v4 =	vmul.f32 v21, v24  }
0x11b: {  	v18 =	vld.idx.msk [tilespmem:v16+s16+$0x0], $0xffff;
	v0 =	vadd.f32 v5, v0  }
0x11c: {  	v5 =	vmul.f32 v11, v24;
	v11 =	vld.idx.msk [tilespmem:v16+s18+$0x0], $0xffff;
	v2 =	vadd.f32 v4, v2;
	v4 =	vmul.f32 v19, v22  }
0x11d: {  	v16 =	vld.idx.msk [tilespmem:v14+s16+$0x0], $0xffff  }
0x11e: {  	v2 =	vadd.f32 v4, v2;
	v4 =	vmul.f32 v17, v20;
	_ =	sdelay $0x1  }
0x11f: {  	v2 =	vadd.f32 v4, v2;
	v4 =	vmul.f32 v15, v18  }
0x120: {  	v0 =	vadd.f32 v5, v0  }
0x121: {  	v5 =	vmul.f32 v7, v22;
	v7 =	vld.idx.msk [tilespmem:v14+s18+$0x0], $0xffff;
	v2 =	vadd.f32 v4, v2;
	v4 =	vmul.f32 v13, v16  }
0x122: {  	v14 =	vld.idx.msk [tilespmem:v12+s16+$0x0], $0xffff  }
0x123: {  	v2 =	vadd.f32 v4, v2;
	v4 =	vld [tilespmem:$0x1FFE0];
	_ =	sdelay $0x4  }
0x124: {  	v0 =	vadd.f32 v5, v0;
	v5 =	vmul.f32 v9, v20;
	v9 =	vld.idx.msk [tilespmem:v12+s18+$0x0], $0xffff;
	v4 =	vmul.f32 v4, v14  }
0x125: {  	v12 =	vld.idx.msk [tilespmem:v10+s16+$0x0], $0xffff  }
0x126: {  	v2 =	vadd.f32 v4, v2;
	v4 =	vld [tilespmem:$0x1FFD0];
	_ =	sdelay $0x4  }
0x127: {  	v10 =	vld.idx.msk [tilespmem:v10+s18+$0x0], $0xffff;
	v0 =	vadd.f32 v5, v0;
	v5 =	vmul.f32 v11, v18;
	v4 =	vmul.f32 v4, v12  }
0x128: {  	v11 =	vld.idx.msk [tilespmem:v8+s16+$0x0], $0xffff  }
0x129: {  	v0 =	vadd.f32 v5, v0;
	v5 =	vmul.f32 v7, v16;
	v2 =	vadd.f32 v4, v2;
	v4 =	vld [tilespmem:$0x1FFC0]  }
0x12a: {  	v7 =	vld.idx.msk [tilespmem:v8+s18+$0x0], $0xffff  }
0x12b: {  	v0 =	vadd.f32 v5, v0;
	v5 =	vmul.f32 v9, v14;
	_ =	sdelay $0x1  }
0x12c: {  	v8 =	vld.idx.msk [tilespmem:v6+s16+$0x0], $0xffff;
	v0 =	vadd.f32 v5, v0;
	v5 =	vmul.f32 v10, v12  }
0x12d: {  	v10 =	vld.idx.msk [tilespmem:v1+s16+$0x0], $0xffff;
	v4 =	vmul.f32 v4, v11  }
0x12e: {  	v0 =	vadd.f32 v5, v0;
	v5 =	vmul.f32 v7, v11;
	v7 =	vld.idx.msk [tilespmem:v1+s18+$0x0], $0xffff  }
0x12f: {  	v1 =	vadd.f32 v4, v2;
	v2 =	vld [tilespmem:$0x1FFB0];
	_ =	sdelay $0x4  }
0x130: {  	v6 =	vld.idx.msk [tilespmem:v6+s18+$0x0], $0xffff;
	v2 =	vmul.f32 v2, v8  }
0x131: {  	v9 =	vld.idx.msk [tilespmem:v3+s16+$0x0], $0xffff  }
0x132: {  	v1 =	vadd.f32 v2, v1;
	v2 =	vld [tilespmem:$0x1FFA0];
	_ =	sdelay $0x3  }
0x133: {  	v0 =	vadd.f32 v5, v0;
	v4 =	vmul.f32 v6, v8  }
0x134: {  	v3 =	vld.idx.msk [tilespmem:v3+s18+$0x0], $0xffff;
	v2 =	vmul.f32 v2, v9  }
0x135: {  	v0 =	vadd.f32 v4, v0;
	v4 =	vld [tilespmem:$0x1FFF0]  }
0x136: {  	v2 =	vadd.f32 v2, v1;
	v1 =	vld [tilespmem:$0x1FF50];
	_ =	sdelay $0x2  }
0x137: {  	v5 =	vmov s20  }
0x138: {  	v3 =	vmul.f32 v3, v9;
	v5 =	vshll.u32 v5, $0x5  }
0x139: {  	v45 =	vor.u32 v4, v5;
	v4 =	vmul.f32 v1, v10  }
0x13a: {  	v0 =	vadd.f32 v3, v0;
	v5 =	vmul.f32 v7, v10;
	v1 =	vor.u32 $0x1F, v45  }
0x13b: {  	v3 =	vor.u32 $0x1E, v45;
	v2 =	vadd.f32 v4, v2  }
0x13c: {  	s0 =	sadd.s32 $0x10, s0;
	v14 =	vor.u32 $0x19, v45;
	v0 =	vadd.f32 v5, v0  }
0x13d: {  	s30 =	sadd.s32 $0x10, s30;
	v16 =	vor.u32 $0x18, v45;
	[tilespmem:s0+$0x0] =	vst v2  }
0x13e: {  	v18 =	vor.u32 $0x17, v45;
	[tilespmem:s30+$0x0] =	vst v0  }
0x13f: {  	v20 =	vor.u32 $0x16, v45;
	v63 =	vld.idx.msk [tilespmem:v1+s17+$0x0], $0xffff  }
0x140: {  	v22 =	vor.u32 $0x15, v45;
	v0 =	vld.idx.msk [tilespmem:v3+s17+$0x0], $0xffff  }
0x141: {  	v24 =	vor.u32 $0x14, v45;
	v13 =	vld.idx.msk [tilespmem:v14+s17+$0x0], $0xffff  }
0x142: {  	v6 =	vor.u32 $0x1D, v45;
	v15 =	vld.idx.msk [tilespmem:v16+s17+$0x0], $0xffff  }
0x143: {  	v26 =	vor.u32 $0x13, v45;
	v17 =	vld.idx.msk [tilespmem:v18+s17+$0x0], $0xffff  }
0x144: {  	v28 =	vor.u32 $0x12, v45;
	v19 =	vld.idx.msk [tilespmem:v20+s17+$0x0], $0xffff  }
0x145: {  	v30 =	vor.u32 $0x11, v45;
	v21 =	vld.idx.msk [tilespmem:v22+s17+$0x0], $0xffff  }
0x146: {  	v32 =	vor.u32 $0x10, v45;
	v23 =	vld.idx.msk [tilespmem:v24+s17+$0x0], $0xffff  }
0x147: {  	v8 =	vor.u32 $0x1C, v45;
	[tilespmem:$0x1FFA0] =	vst v0;
	v0 =	vld.idx.msk [tilespmem:v6+s17+$0x0], $0xffff  }
0x148: {  	v34 =	vor.u32 $0xF, v45;
	v25 =	vld.idx.msk [tilespmem:v26+s17+$0x0], $0xffff  }
0x149: {  	v36 =	vor.u32 $0xE, v45;
	v27 =	vld.idx.msk [tilespmem:v28+s17+$0x0], $0xffff  }
0x14a: {  	v38 =	vor.u32 $0xD, v45;
	v29 =	vld.idx.msk [tilespmem:v30+s17+$0x0], $0xffff  }
0x14b: {  	v40 =	vor.u32 $0xC, v45;
	v31 =	vld.idx.msk [tilespmem:v32+s17+$0x0], $0xffff  }
0x14c: {  	v10 =	vor.u32 $0x1B, v45;
	[tilespmem:$0x1FFB0] =	vst v0;
	v0 =	vld.idx.msk [tilespmem:v8+s17+$0x0], $0xffff  }
0x14d: {  	v42 =	vor.u32 $0xB, v45;
	v33 =	vld.idx.msk [tilespmem:v34+s17+$0x0], $0xffff  }
0x14e: {  	v44 =	vor.u32 $0xA, v45;
	v35 =	vld.idx.msk [tilespmem:v36+s17+$0x0], $0xffff  }
0x14f: {  	v47 =	vor.u32 $0x9, v45;
	v37 =	vld.idx.msk [tilespmem:v38+s17+$0x0], $0xffff  }
0x150: {  	v49 =	vor.u32 $0x8, v45;
	v39 =	vld.idx.msk [tilespmem:v40+s17+$0x0], $0xffff  }
0x151: {  	v12 =	vor.u32 $0x1A, v45;
	[tilespmem:$0x1FFC0] =	vst v0;
	v0 =	vld.idx.msk [tilespmem:v10+s17+$0x0], $0xffff  }
0x152: {  	v51 =	vor.u32 $0x7, v45;
	v41 =	vld.idx.msk [tilespmem:v42+s17+$0x0], $0xffff  }
0x153: {  	v53 =	vor.u32 $0x6, v45;
	v43 =	vld.idx.msk [tilespmem:v44+s17+$0x0], $0xffff  }
0x154: {  	v55 =	vor.u32 $0x5, v45;
	v46 =	vld.idx.msk [tilespmem:v47+s17+$0x0], $0xffff  }
0x155: {  	v57 =	vor.u32 $0x4, v45;
	v48 =	vld.idx.msk [tilespmem:v49+s17+$0x0], $0xffff  }
0x156: {  	p0 =	sne.s32 s20, $0x1F0;
	v59 =	vor.u32 $0x3, v45;
	[tilespmem:$0x1FFD0] =	vst v0;
	v0 =	vld.idx.msk [tilespmem:v12+s17+$0x0], $0xffff  }
.Ltmp0:
0x157: {  	v50 =	vld.idx.msk [tilespmem:v51+s17+$0x0], $0xffff;
	(pc) =	sbr.rel @p0 .LBB2_2-.Ltmp0, $4  }
0x158: {  	v52 =	vld.idx.msk [tilespmem:v53+s17+$0x0], $0xffff  }
0x159: {  	v54 =	vld.idx.msk [tilespmem:v55+s17+$0x0], $0xffff  }
0x15a: {  	v56 =	vld.idx.msk [tilespmem:v57+s17+$0x0], $0xffff  }
0x15b: {  	s20 =	sadd.s32 $0x10, s20;
	v60 =	vor.u32 $0x2, v45;
	v61 =	vor.u32 $0x1, v45;
	v58 =	vld.idx.msk [tilespmem:v59+s17+$0x0], $0xffff;
	[tilespmem:$0x1FFE0] =	vst v0  }
0x15c: {  	_ =	sdelay $0x3  }
0x15d: {  	v0 =	vld.idx.msk [tilespmem:v61+s18+$0x0], $0xffff  }
0x15e: {  	v2 =	vld.idx.msk [tilespmem:v45+s17+$0x0], $0xffff  }
0x15f: {  	v4 =	vld.idx.msk [tilespmem:v45+s16+$0x0], $0xffff  }
0x160: {  	v5 =	vld.idx.msk [tilespmem:v45+s18+$0x0], $0xffff  }
0x161: {  	v7 =	vld.idx.msk [tilespmem:v61+s17+$0x0], $0xffff  }
0x162: {  	v9 =	vld.idx.msk [tilespmem:v61+s16+$0x0], $0xffff  }
0x163: {  	s20 =	sadd.s32 $0x10, s28;
	v11 =	vld.idx.msk [tilespmem:v60+s17+$0x0], $0xffff  }
0x164: {  	s25 =	sadd.s32 $0x10, s25;
	v45 =	vld [tilespmem:s20+$0x0]  }
0x165: {  	v61 =	vld [tilespmem:s25+$0x0]  }
0x166: {  	v62 =	vld.idx.msk [tilespmem:v60+s16+$0x0], $0xffff  }
0x167: {  	v60 =	vld.idx.msk [tilespmem:v60+s18+$0x0], $0xffff  }
0x168: {  	v2 =	vmul.f32 v2, v4;
	v4 =	vmul.f32 v5, v4;
	v5 =	vld.idx.msk [tilespmem:v59+s16+$0x0], $0xffff  }
0x169: {  	v7 =	vmul.f32 v7, v9;
	v0 =	vmul.f32 v0, v9;
	v9 =	vld.idx.msk [tilespmem:v57+s16+$0x0], $0xffff  }
0x16a: {  	v2 =	vadd.f32 v2, v45;
	v45 =	vld.idx.msk [tilespmem:v59+s18+$0x0], $0xffff;
	v4 =	vadd.f32 v4, v61  }
0x16b: {  	v11 =	vmul.f32 v11, v62;
	v59 =	vld.idx.msk [tilespmem:v55+s18+$0x0], $0xffff  }
0x16c: {  	v62 =	vmul.f32 v60, v62;
	v2 =	vadd.f32 v7, v2;
	v7 =	vld.idx.msk [tilespmem:v57+s18+$0x0], $0xffff;
	v0 =	vadd.f32 v0, v4  }
0x16d: {  	v57 =	vld.idx.msk [tilespmem:v55+s16+$0x0], $0xffff  }
0x16e: {  	v0 =	vadd.f32 v62, v0;
	v62 =	vmul.f32 v56, v9;
	v56 =	vld.idx.msk [tilespmem:v51+s18+$0x0], $0xffff  }
0x16f: {  	v60 =	vmul.f32 v58, v5;
	v61 =	vmul.f32 v45, v5;
	v5 =	vld.idx.msk [tilespmem:v53+s16+$0x0], $0xffff  }
0x170: {  	v2 =	vadd.f32 v11, v2;
	v45 =	vld.idx.msk [tilespmem:v53+s18+$0x0], $0xffff  }
0x171: {  	v53 =	vld.idx.msk [tilespmem:v47+s16+$0x0], $0xffff  }
0x172: {  	v2 =	vadd.f32 v60, v2;
	v60 =	vld.idx.msk [tilespmem:v49+s16+$0x0], $0xffff  }
0x173: {  	v55 =	vmul.f32 v7, v9;
	v7 =	vld.idx.msk [tilespmem:v51+s16+$0x0], $0xffff  }
0x174: {  	v0 =	vadd.f32 v61, v0;
	v61 =	vld.idx.msk [tilespmem:v49+s18+$0x0], $0xffff  }
0x175: {  	v58 =	vmul.f32 v54, v57;
	v54 =	vld.idx.msk [tilespmem:v47+s18+$0x0], $0xffff  }
0x176: {  	v59 =	vmul.f32 v59, v57;
	v57 =	vld.idx.msk [tilespmem:v44+s16+$0x0], $0xffff;
	v2 =	vadd.f32 v62, v2  }
0x177: {  	v51 =	vld.idx.msk [tilespmem:v40+s18+$0x0], $0xffff;
	v0 =	vadd.f32 v55, v0  }
0x178: {  	v2 =	vadd.f32 v58, v2;
	v62 =	vmul.f32 v52, v5;
	v58 =	vld.idx.msk [tilespmem:v44+s18+$0x0], $0xffff  }
0x179: {  	v52 =	vmul.f32 v45, v5;
	v45 =	vld.idx.msk [tilespmem:v30+s16+$0x0], $0xffff;
	v0 =	vadd.f32 v59, v0;
	v59 =	vmul.f32 v48, v60  }
0x17a: {  	v48 =	vmul.f32 v46, v53;
	v46 =	vld.idx.msk [tilespmem:v30+s18+$0x0], $0xffff;
	v2 =	vadd.f32 v62, v2;
	v55 =	vmul.f32 v50, v7  }
0x17b: {  	v30 =	vld.idx.msk [tilespmem:v18+s16+$0x0], $0xffff;
	v56 =	vmul.f32 v56, v7;
	v0 =	vadd.f32 v52, v0  }
0x17c: {  	v60 =	vmul.f32 v61, v60;
	v61 =	vld.idx.msk [tilespmem:v42+s16+$0x0], $0xffff;
	v2 =	vadd.f32 v55, v2  }
0x17d: {  	v62 =	vld.idx.msk [tilespmem:v42+s18+$0x0], $0xffff;
	v0 =	vadd.f32 v56, v0  }
0x17e: {  	v50 =	vld.idx.msk [tilespmem:v40+s16+$0x0], $0xffff;
	v2 =	vadd.f32 v59, v2  }
0x17f: {  	v49 =	vmul.f32 v54, v53;
	v53 =	vld.idx.msk [tilespmem:v38+s16+$0x0], $0xffff;
	v0 =	vadd.f32 v60, v0  }
0x180: {  	v43 =	vmul.f32 v43, v57;
	v54 =	vld.idx.msk [tilespmem:v38+s18+$0x0], $0xffff;
	v2 =	vadd.f32 v48, v2  }
0x181: {  	v42 =	vld.idx.msk [tilespmem:v32+s18+$0x0], $0xffff;
	v52 =	vmul.f32 v58, v57;
	v0 =	vadd.f32 v49, v0  }
0x182: {  	v38 =	vld.idx.msk [tilespmem:v14+s18+$0x0], $0xffff;
	v55 =	vmul.f32 v41, v61;
	v2 =	vadd.f32 v43, v2  }
0x183: {  	v57 =	vld.idx.msk [tilespmem:v36+s16+$0x0], $0xffff;
	v56 =	vmul.f32 v62, v61;
	v0 =	vadd.f32 v52, v0  }
0x184: {  	v58 =	vld.idx.msk [tilespmem:v36+s18+$0x0], $0xffff;
	v59 =	vmul.f32 v39, v50;
	v2 =	vadd.f32 v55, v2  }
0x185: {  	v60 =	vmul.f32 v51, v50;
	v61 =	vld.idx.msk [tilespmem:v34+s16+$0x0], $0xffff;
	v0 =	vadd.f32 v56, v0  }
0x186: {  	v62 =	vld.idx.msk [tilespmem:v34+s18+$0x0], $0xffff;
	v37 =	vmul.f32 v37, v53;
	v2 =	vadd.f32 v59, v2  }
0x187: {  	v40 =	vmul.f32 v54, v53;
	v41 =	vld.idx.msk [tilespmem:v32+s16+$0x0], $0xffff;
	v0 =	vadd.f32 v60, v0  }
0x188: {  	v50 =	vld.idx.msk [tilespmem:v28+s18+$0x0], $0xffff;
	v43 =	vmul.f32 v35, v57;
	v2 =	vadd.f32 v37, v2  }
0x189: {  	v53 =	vld.idx.msk [tilespmem:v26+s18+$0x0], $0xffff;
	v44 =	vmul.f32 v58, v57;
	v0 =	vadd.f32 v40, v0  }
0x18a: {  	v34 =	vld.idx.msk [tilespmem:v16+s16+$0x0], $0xffff;
	v47 =	vmul.f32 v33, v61;
	v2 =	vadd.f32 v43, v2  }
0x18b: {  	v49 =	vld.idx.msk [tilespmem:v28+s16+$0x0], $0xffff;
	v48 =	vmul.f32 v62, v61;
	v0 =	vadd.f32 v44, v0  }
0x18c: {  	v57 =	vld.idx.msk [tilespmem:v24+s18+$0x0], $0xffff;
	v31 =	vmul.f32 v31, v41;
	v2 =	vadd.f32 v47, v2  }
0x18d: {  	v52 =	vld.idx.msk [tilespmem:v26+s16+$0x0], $0xffff;
	v51 =	vmul.f32 v42, v41;
	v0 =	vadd.f32 v48, v0  }
0x18e: {  	v54 =	vmul.f32 v29, v45;
	v35 =	vld.idx.msk [tilespmem:v16+s18+$0x0], $0xffff;
	v2 =	vadd.f32 v31, v2  }
0x18f: {  	v55 =	vmul.f32 v46, v45;
	v56 =	vld.idx.msk [tilespmem:v24+s16+$0x0], $0xffff;
	v0 =	vadd.f32 v51, v0  }
0x190: {  	v26 =	vld.idx.msk [tilespmem:v20+s16+$0x0], $0xffff;
	v58 =	vmul.f32 v27, v49;
	v2 =	vadd.f32 v54, v2  }
0x191: {  	v59 =	vmul.f32 v50, v49;
	v60 =	vld.idx.msk [tilespmem:v22+s16+$0x0], $0xffff;
	v0 =	vadd.f32 v55, v0  }
0x192: {  	v61 =	vld.idx.msk [tilespmem:v22+s18+$0x0], $0xffff;
	v25 =	vmul.f32 v25, v52;
	v2 =	vadd.f32 v58, v2  }
0x193: {  	v41 =	vld.idx.msk [tilespmem:v12+s16+$0x0], $0xffff;
	v62 =	vmul.f32 v53, v52;
	v0 =	vadd.f32 v59, v0  }
0x194: {  	v27 =	vld.idx.msk [tilespmem:v20+s18+$0x0], $0xffff;
	v28 =	vmul.f32 v23, v56;
	v2 =	vadd.f32 v25, v2  }
0x195: {  	v42 =	vld.idx.msk [tilespmem:v12+s18+$0x0], $0xffff;
	v29 =	vmul.f32 v57, v56;
	v0 =	vadd.f32 v62, v0  }
0x196: {  	v32 =	vmul.f32 v21, v60;
	v31 =	vld.idx.msk [tilespmem:v18+s18+$0x0], $0xffff;
	v2 =	vadd.f32 v28, v2  }
0x197: {  	v45 =	vld.idx.msk [tilespmem:v10+s16+$0x0], $0xffff;
	v33 =	vmul.f32 v61, v60;
	v0 =	vadd.f32 v29, v0  }
0x198: {  	v46 =	vld.idx.msk [tilespmem:v10+s18+$0x0], $0xffff;
	v19 =	vmul.f32 v19, v26;
	v2 =	vadd.f32 v32, v2  }
0x199: {  	v37 =	vld.idx.msk [tilespmem:v14+s16+$0x0], $0xffff;
	v36 =	vmul.f32 v27, v26;
	v0 =	vadd.f32 v33, v0  }
0x19a: {  	v39 =	vmul.f32 v17, v30;
	v49 =	vld.idx.msk [tilespmem:v8+s18+$0x0], $0xffff;
	v2 =	vadd.f32 v19, v2  }
0x19b: {  	v50 =	vld [tilespmem:$0x1FFE0];
	v40 =	vmul.f32 v31, v30;
	v0 =	vadd.f32 v36, v0  }
0x19c: {  	v52 =	vld.idx.msk [tilespmem:v6+s16+$0x0], $0xffff;
	v43 =	vmul.f32 v15, v34;
	v2 =	vadd.f32 v39, v2  }
0x19d: {  	v44 =	vmul.f32 v35, v34;
	v54 =	vld [tilespmem:$0x1FFD0];
	v0 =	vadd.f32 v40, v0  }
0x19e: {  	v57 =	vld [tilespmem:$0x1FFC0];
	v13 =	vmul.f32 v13, v37;
	v2 =	vadd.f32 v43, v2  }
0x19f: {  	v47 =	vmul.f32 v38, v37;
	v48 =	vld.idx.msk [tilespmem:v8+s16+$0x0], $0xffff;
	v0 =	vadd.f32 v44, v0  }
0x1a0: {  	v53 =	vld.idx.msk [tilespmem:v6+s18+$0x0], $0xffff;
	v9 =	vmul.f32 v50, v41;
	v2 =	vadd.f32 v13, v2  }
0x1a1: {  	v60 =	vld [tilespmem:$0x1FFB0];
	v51 =	vmul.f32 v42, v41;
	v0 =	vadd.f32 v47, v0  }
0x1a2: {  	v56 =	vld.idx.msk [tilespmem:v3+s16+$0x0], $0xffff;
	v2 =	vadd.f32 v9, v2;
	v9 =	vmul.f32 v54, v45  }
0x1a3: {  	v55 =	vmul.f32 v46, v45;
	v62 =	vld [tilespmem:$0x1FFA0];
	v0 =	vadd.f32 v51, v0  }
0x1a4: {  	v3 =	vld.idx.msk [tilespmem:v3+s18+$0x0], $0xffff;
	v2 =	vadd.f32 v9, v2;
	v9 =	vmul.f32 v57, v48  }
0x1a5: {  	v58 =	vmul.f32 v49, v48;
	v59 =	vld.idx.msk [tilespmem:v1+s16+$0x0], $0xffff;
	v0 =	vadd.f32 v55, v0  }
0x1a6: {  	v8 =	vmul.f32 v60, v52;
	v1 =	vld.idx.msk [tilespmem:v1+s18+$0x0], $0xffff;
	v2 =	vadd.f32 v9, v2  }
0x1a7: {  	v61 =	vmul.f32 v53, v52;
	v0 =	vadd.f32 v58, v0  }
0x1a8: {  	v6 =	vmul.f32 v62, v56;
	v2 =	vadd.f32 v8, v2  }
0x1a9: {  	v3 =	vmul.f32 v3, v56;
	v0 =	vadd.f32 v61, v0  }
0x1aa: {  	v63 =	vmul.f32 v63, v59;
	v2 =	vadd.f32 v6, v2  }
0x1ab: {  	v1 =	vmul.f32 v1, v59;
	v0 =	vadd.f32 v3, v0  }
0x1ac: {  	v2 =	vadd.f32 v63, v2  }
0x1ad: {  	s0 =	sadd.s32 $0x10, s0;
	v0 =	vadd.f32 v1, v0  }
0x1ae: {  	s30 =	sadd.s32 $0x10, s30;
	[tilespmem:s0+$0x0] =	vst v2  }
0x1af: {  	[tilespmem:s30+$0x0] =	vst v0  }
0x1b0: {  	[hbm4b:s9+s3] =	stream.linear.scatter [tilespmem:s19], [sflag:$0x2], $0x200, $0x38;
	[tilespmem:$0xCE00] =	vst v63  }
0x1b1: {  	s23 =	sadd.s32 $0x1, s23;
	_ =	swait.ge [sflag:s12], $0x200  }
0x1b2: {  	p0 =	sne.s32 s23, s11;
	[sflag:s12] =	ssyncset.done $0x0  }
.Ltmp1:
0x1b3: {  	[sflag:s12] =	ssyncadd.s32 $0xFFFFFE00;
	(pc) =	sbr.rel @p0 .LBB2_1-.Ltmp1, $4  }
0x1b4: {  	[hbm4b:s10+s3] =	stream.linear.scatter [tilespmem:s21], [sflag:$0x2], $0x200, $0x38;
	[tilespmem:$0xCE00] =	vst v63  }
0x1b5: {  	_ =	swait.ge [sflag:s12], $0x200  }
0x1b6: {  	[sflag:s12] =	ssyncset.done $0x0  }
0x1b7: {  	v0 =	vld [tilespmem:$0x1FFF0];
	[sflag:s12] =	ssyncadd.s32 $0xFFFFFE00  }
0x1b8: {  	_ =	sfence.sel $0x180000  }
0x1b9: {  	[bflag:$0x0] =	sbarrier.arrive $0xFFFF  }
0x1ba: {  	_ =	strace $0x90000047  }
0x1bb: {  	s0 =	stileid.u32;
	[bflag:$0x2] =	sbarrier.arrive $0xFFFF  }
0x1bc: {  	p0 =	sne.s32 s0, $0x0;
	s0 =	rddreg [dreg:$0x7]  }
0x1bd: {  	s0 =	sadd.s32 @!p0 $0x100000, s0  }
0x1be: {  	[sflag:s0] =	ssyncadd.tile.s32 @!p0 $0x1;
	_ =	shalt  }
.Lfunc_end2:
_tile_overlayer_lowered:
.L_overlay_start_2:
0x1bf: {  	(tag) =	ssettag $0x2  }
0x1c0: {  	s0 =	rddreg [dreg:$0x0];
	s2 =	stileid.u32  }
0x1c1: {  	s1 =	rddreg [dreg:$0x1];
	p0 =	sne.s32 s2, $0x0  }
0x1c2: {  	s3 =	rddreg [dreg:$0x2];
	[bflag:$0x3] =	sbarrier.arrive $0xFFFF;
	s2 =	simm.s32 @!p0 $0x1C02  }
0x1c3: {  	[timem:s3], [sflag:s2] =	dma.local @!p0 [hbm:s0], s1  }
0x1c4: {  	s0 =	simm.s32 @!p0 $0x2  }
0x1c5: {  	_ =	swait.ge @!p0 [sflag:s0], s1  }
0x1c6: {  	s1 =	ssub.s32 @!p0 $0x0, s1;
	[sflag:s0] =	ssyncset.done @!p0 $0x0  }
0x1c7: {  	[sflag:s0] =	ssyncadd.s32 @!p0 s1  }
0x1c8: {  	[bflag:$0x3] =	sbarrier.arrive $0xFFFF  }
0x1c9: {  	_ =	shalt  }

</sc_bundles>
